<compile_context>
chip_gen: v7x
topology: tpu7x:2x2x1
jax: 0.10.2.dev20260603
libtpu: 0.0.44.dev20260713+nightly
codegen_flags: <defaults>
</compile_context>

<pallas_src>
import functools

import jax
import jax.numpy as jnp
from jax import lax
from jax.experimental import pallas as pl
from jax.experimental.pallas import tpu as pltpu
from jax.experimental.pallas import tpu_sc as plsc

VOCAB = 1000000
DIM = 64
NC, NS = 2, 16
NW = NC * NS
B = 4096 * 200
BPW = B // NW
SUB = 128
K = 4
CHUNK = SUB * K
NCHUNK = BPW // CHUNK
IDXROWS = BPW // SUB


def _embed_lookup(x2d, table):
    mesh = plsc.VectorSubcoreMesh(core_axis_name="c", subcore_axis_name="s")

    @functools.partial(
        pl.kernel,
        out_type=jax.ShapeDtypeStruct((B, DIM), jnp.float32),
        mesh=mesh,
        scratch_types=[
            pltpu.VMEM((IDXROWS, SUB), jnp.int32),
            pltpu.VMEM((2, CHUNK, DIM), jnp.float32),
            pltpu.SemaphoreType.DMA,
            pltpu.SemaphoreType.DMA,
            pltpu.SemaphoreType.DMA,
        ],
        compiler_params=pltpu.CompilerParams(use_tc_tiling_on_sc=False),
    )
    def body(x_hbm, table_hbm, out_hbm, idx_v, rows_v, gsem0, gsem1, osem):
        wid = lax.axis_index("s") * NC + lax.axis_index("c")
        row0 = wid * IDXROWS
        gsems = (gsem0, gsem1)
        table_rows = table_hbm

        pltpu.sync_copy(x_hbm.at[pl.ds(row0, IDXROWS)], idx_v)

        def fire_gathers(i, b):
            for j in range(K):
                pltpu.async_copy(
                    table_rows.at[idx_v.at[i * K + j]],
                    rows_v.at[b].at[pl.ds(j * SUB, SUB)],
                    gsems[b],
                )

        def drain_gathers(i, b):
            for j in range(K):
                pltpu.make_async_copy(
                    table_rows.at[idx_v.at[i * K + j]],
                    rows_v.at[b].at[pl.ds(j * SUB, SUB)],
                    gsems[b],
                ).wait()

        def fire_out(i, b):
            pltpu.async_copy(
                rows_v.at[b],
                out_hbm.at[pl.ds(row0 * SUB + i * CHUNK, CHUNK)],
                osem,
            )

        def drain_out(i, b):
            pltpu.make_async_copy(
                rows_v.at[b],
                out_hbm.at[pl.ds(row0 * SUB + i * CHUNK, CHUNK)],
                osem,
            ).wait()

        fire_gathers(0, 0)

        def outer(t, carry):
            for b in range(2):
                i = t * 2 + b

                @pl.when(i > 0)
                def _():
                    drain_out(i - 1, 1 - b)

                @pl.when(i + 1 < NCHUNK)
                def _():
                    fire_gathers(i + 1, 1 - b)

                drain_gathers(i, b)
                fire_out(i, b)
            return carry

        lax.fori_loop(0, NCHUNK // 2, outer, 0)
        drain_out(NCHUNK - 1, 1)

    return body(x2d, table)


def kernel(x, table):
    x2d = x.reshape(B // SUB, SUB).astype(jnp.int32)
    out = _embed_lookup(x2d, table)
    return out.reshape(4096, 200, DIM)

# --- scband reference (transcript-rebuilt; emitter-appended) ---
"""Pipeline reference for scband-embedder-893353197932 (READ-ONLY COPY).

The authoritative reference and input builder live on the scoring server;
editing this copy changes nothing except your own understanding.
"""

import jax, jax.numpy as jnp
import numpy as np

VOCAB = 1000000
DIM = 64

def setup_inputs(seed: int = 0) -> dict:
    key = jax.random.key(seed)
    k1, k2 = jax.random.split(key)
    x = jax.random.randint(k1, (4096, 200), 0, VOCAB, dtype=jnp.int64 if jax.config.jax_enable_x64 else jnp.int32)
    table = jax.random.normal(k2, (VOCAB, DIM), dtype=jnp.float32)
    return {"x": x, "table": table}

def reference(x, table):
    # nn.Embedding forward: gather rows of the embedding table
    return jnp.take(table, x, axis=0)

if __name__ == "__main__":
    import jax
    _d = setup_inputs()
    print(jax.jit(kernel)(*tuple(_d.values())))

</pallas_src>

<mosaic_0001>
#map = affine_map<(d0, d1) -> (0, 0)>
module attributes {stable_mosaic.version = 14 : i64} {
  func.func @body(%arg0: i32, %arg1: i32, %arg2: memref<6400x128xi32, #tpu.memory_space<hbm>>, %arg3: memref<1000000x64xf32, #tpu.memory_space<hbm>>, %arg4: memref<819200x64xf32, #tpu.memory_space<hbm>>, %arg5: memref<200x128xi32, #tpu.memory_space<vmem>>, %arg6: memref<2x512x64xf32, #tpu.memory_space<vmem>>, %arg7: memref<!tpu.dma_semaphore, #tpu.memory_space<semaphore_mem>>, %arg8: memref<!tpu.dma_semaphore, #tpu.memory_space<semaphore_mem>>, %arg9: memref<!tpu.dma_semaphore, #tpu.memory_space<semaphore_mem>>) attributes {dimension_semantics = [#tpu.dimension_semantics<core_parallel>, #tpu.dimension_semantics<subcore_parallel>], iteration_bounds = array<i64: 2, 16>, scalar_prefetch = 0 : i64, scratch_operands = 5 : i64, tpu.core_type = #tpu.core_type<sc_vector_subcore>, window_params = [{transform_indices = #map}, {transform_indices = #map}, {transform_indices = #map}]} {
    %mul3A = arith.constant 2 : i32
    %mul3A_0 = arith.muli %arg1, %mul3A : i32
    %add3A = arith.addi %mul3A_0, %arg0 : i32
    %mul3A_1 = arith.constant 200 : i32
    %mul3A_2 = arith.muli %add3A, %mul3A_1 : i32
    "tpu.region"() ({
      %run_scoped3A = tpu.sem_alloc : memref<!tpu.dma_semaphore, #tpu.memory_space<semaphore_mem>>
      %dma_start3A_83 = arith.constant 0 : i32
      %dma_start3A_84 = tpu.memref_slice %arg2[%mul3A_2, %dma_start3A_83] : memref<6400x128xi32, #tpu.memory_space<hbm>> -> memref<200x128xi32, #tpu.memory_space<hbm>>
      %dma_start3A_85 = arith.constant 0 : i32
      %dma_start3A_86 = tpu.memref_slice %arg2[%mul3A_2, %dma_start3A_85] : memref<6400x128xi32, #tpu.memory_space<hbm>> -> memref<200x128xi32, #tpu.memory_space<hbm>>
      tpu.enqueue_dma source(%dma_start3A_86 : memref<200x128xi32, #tpu.memory_space<hbm>>) target(%arg5 : memref<200x128xi32, #tpu.memory_space<vmem>>) target_semaphore(%run_scoped3A : memref<!tpu.dma_semaphore, #tpu.memory_space<semaphore_mem>>)
      %dma_wait3A_87 = arith.constant 0 : i32
      %dma_wait3A_88 = tpu.memref_slice %arg2[%mul3A_2, %dma_wait3A_87] : memref<6400x128xi32, #tpu.memory_space<hbm>> -> memref<200x128xi32, #tpu.memory_space<hbm>>
      %dma_wait3A_89 = arith.constant 0 : i32
      %dma_wait3A_90 = tpu.memref_slice %arg2[%mul3A_2, %dma_wait3A_89] : memref<6400x128xi32, #tpu.memory_space<hbm>> -> memref<200x128xi32, #tpu.memory_space<hbm>>
      tpu.wait_dma2 semaphore(%run_scoped3A : memref<!tpu.dma_semaphore, #tpu.memory_space<semaphore_mem>>) src(%dma_wait3A_90 : memref<200x128xi32, #tpu.memory_space<hbm>>) dst(%arg5 : memref<200x128xi32, #tpu.memory_space<vmem>>)
      tpu.yield
    }) : () -> ()
    %dma_start3A = arith.constant 0 : i32
    %dma_start3A_3 = arith.constant 0 : i32
    %dma_start3A_4 = arith.constant 0 : i32
    %dma_start3A_5 = arith.constant 0 : i32
    %dma_start3A_6 = tpu.memref_slice %arg6[%dma_start3A_3, %dma_start3A_4, %dma_start3A_5] : memref<2x512x64xf32, #tpu.memory_space<vmem>> -> memref<1x512x64xf32, #tpu.memory_space<vmem>>
    %dma_start3A_7 = tpu.memref_squeeze %dma_start3A_6 : memref<1x512x64xf32, #tpu.memory_space<vmem>> -> memref<512x64xf32, #tpu.memory_space<vmem>>
    %dma_start3A_8 = arith.constant 0 : i32
    %dma_start3A_9 = arith.constant 0 : i32
    %dma_start3A_10 = tpu.memref_slice %dma_start3A_7[%dma_start3A_8, %dma_start3A_9] : memref<512x64xf32, #tpu.memory_space<vmem>> -> memref<128x64xf32, #tpu.memory_space<vmem>>
    %dma_start3A_11 = arith.constant 0 : i32
    %dma_start3A_12 = tpu.memref_slice %arg5[%dma_start3A, %dma_start3A_11] : memref<200x128xi32, #tpu.memory_space<vmem>> -> memref<1x128xi32, #tpu.memory_space<vmem>>
    %dma_start3A_13 = tpu.memref_squeeze %dma_start3A_12 : memref<1x128xi32, #tpu.memory_space<vmem>> -> memref<128xi32, #tpu.memory_space<vmem>>
    %dma_start3A_14 = arith.constant 0 : i32
    %dma_start3A_15 = arith.constant 0 : i32
    %dma_start3A_16 = tpu.memref_slice %arg3[%dma_start3A_14, %dma_start3A_15] : memref<1000000x64xf32, #tpu.memory_space<hbm>> -> memref<1000000x64xf32, #tpu.memory_space<hbm>>
    tpu.enqueue_indirect_dma source(%dma_start3A_16 : memref<1000000x64xf32, #tpu.memory_space<hbm>>) target(%dma_start3A_10 : memref<128x64xf32, #tpu.memory_space<vmem>>) offsets(%dma_start3A_13 : memref<128xi32, #tpu.memory_space<vmem>>) semaphore(%arg7 : memref<!tpu.dma_semaphore, #tpu.memory_space<semaphore_mem>>)
    %dma_start3A_17 = arith.constant 1 : i32
    %dma_start3A_18 = arith.constant 0 : i32
    %dma_start3A_19 = arith.constant 0 : i32
    %dma_start3A_20 = arith.constant 0 : i32
    %dma_start3A_21 = tpu.memref_slice %arg6[%dma_start3A_18, %dma_start3A_19, %dma_start3A_20] : memref<2x512x64xf32, #tpu.memory_space<vmem>> -> memref<1x512x64xf32, #tpu.memory_space<vmem>>
    %dma_start3A_22 = tpu.memref_squeeze %dma_start3A_21 : memref<1x512x64xf32, #tpu.memory_space<vmem>> -> memref<512x64xf32, #tpu.memory_space<vmem>>
    %dma_start3A_23 = arith.constant 128 : i32
    %dma_start3A_24 = arith.constant 0 : i32
    %dma_start3A_25 = tpu.memref_slice %dma_start3A_22[%dma_start3A_23, %dma_start3A_24] : memref<512x64xf32, #tpu.memory_space<vmem>> -> memref<128x64xf32, #tpu.memory_space<vmem>>
    %dma_start3A_26 = arith.constant 0 : i32
    %dma_start3A_27 = tpu.memref_slice %arg5[%dma_start3A_17, %dma_start3A_26] : memref<200x128xi32, #tpu.memory_space<vmem>> -> memref<1x128xi32, #tpu.memory_space<vmem>>
    %dma_start3A_28 = tpu.memref_squeeze %dma_start3A_27 : memref<1x128xi32, #tpu.memory_space<vmem>> -> memref<128xi32, #tpu.memory_space<vmem>>
    %dma_start3A_29 = arith.constant 0 : i32
    %dma_start3A_30 = arith.constant 0 : i32
    %dma_start3A_31 = tpu.memref_slice %arg3[%dma_start3A_29, %dma_start3A_30] : memref<1000000x64xf32, #tpu.memory_space<hbm>> -> memref<1000000x64xf32, #tpu.memory_space<hbm>>
    tpu.enqueue_indirect_dma source(%dma_start3A_31 : memref<1000000x64xf32, #tpu.memory_space<hbm>>) target(%dma_start3A_25 : memref<128x64xf32, #tpu.memory_space<vmem>>) offsets(%dma_start3A_28 : memref<128xi32, #tpu.memory_space<vmem>>) semaphore(%arg7 : memref<!tpu.dma_semaphore, #tpu.memory_space<semaphore_mem>>)
    %dma_start3A_32 = arith.constant 2 : i32
    %dma_start3A_33 = arith.constant 0 : i32
    %dma_start3A_34 = arith.constant 0 : i32
    %dma_start3A_35 = arith.constant 0 : i32
    %dma_start3A_36 = tpu.memref_slice %arg6[%dma_start3A_33, %dma_start3A_34, %dma_start3A_35] : memref<2x512x64xf32, #tpu.memory_space<vmem>> -> memref<1x512x64xf32, #tpu.memory_space<vmem>>
    %dma_start3A_37 = tpu.memref_squeeze %dma_start3A_36 : memref<1x512x64xf32, #tpu.memory_space<vmem>> -> memref<512x64xf32, #tpu.memory_space<vmem>>
    %dma_start3A_38 = arith.constant 256 : i32
    %dma_start3A_39 = arith.constant 0 : i32
    %dma_start3A_40 = tpu.memref_slice %dma_start3A_37[%dma_start3A_38, %dma_start3A_39] : memref<512x64xf32, #tpu.memory_space<vmem>> -> memref<128x64xf32, #tpu.memory_space<vmem>>
    %dma_start3A_41 = arith.constant 0 : i32
    %dma_start3A_42 = tpu.memref_slice %arg5[%dma_start3A_32, %dma_start3A_41] : memref<200x128xi32, #tpu.memory_space<vmem>> -> memref<1x128xi32, #tpu.memory_space<vmem>>
    %dma_start3A_43 = tpu.memref_squeeze %dma_start3A_42 : memref<1x128xi32, #tpu.memory_space<vmem>> -> memref<128xi32, #tpu.memory_space<vmem>>
    %dma_start3A_44 = arith.constant 0 : i32
    %dma_start3A_45 = arith.constant 0 : i32
    %dma_start3A_46 = tpu.memref_slice %arg3[%dma_start3A_44, %dma_start3A_45] : memref<1000000x64xf32, #tpu.memory_space<hbm>> -> memref<1000000x64xf32, #tpu.memory_space<hbm>>
    tpu.enqueue_indirect_dma source(%dma_start3A_46 : memref<1000000x64xf32, #tpu.memory_space<hbm>>) target(%dma_start3A_40 : memref<128x64xf32, #tpu.memory_space<vmem>>) offsets(%dma_start3A_43 : memref<128xi32, #tpu.memory_space<vmem>>) semaphore(%arg7 : memref<!tpu.dma_semaphore, #tpu.memory_space<semaphore_mem>>)
    %dma_start3A_47 = arith.constant 3 : i32
    %dma_start3A_48 = arith.constant 0 : i32
    %dma_start3A_49 = arith.constant 0 : i32
    %dma_start3A_50 = arith.constant 0 : i32
    %dma_start3A_51 = tpu.memref_slice %arg6[%dma_start3A_48, %dma_start3A_49, %dma_start3A_50] : memref<2x512x64xf32, #tpu.memory_space<vmem>> -> memref<1x512x64xf32, #tpu.memory_space<vmem>>
    %dma_start3A_52 = tpu.memref_squeeze %dma_start3A_51 : memref<1x512x64xf32, #tpu.memory_space<vmem>> -> memref<512x64xf32, #tpu.memory_space<vmem>>
    %dma_start3A_53 = arith.constant 384 : i32
    %dma_start3A_54 = arith.constant 0 : i32
    %dma_start3A_55 = tpu.memref_slice %dma_start3A_52[%dma_start3A_53, %dma_start3A_54] : memref<512x64xf32, #tpu.memory_space<vmem>> -> memref<128x64xf32, #tpu.memory_space<vmem>>
    %dma_start3A_56 = arith.constant 0 : i32
    %dma_start3A_57 = tpu.memref_slice %arg5[%dma_start3A_47, %dma_start3A_56] : memref<200x128xi32, #tpu.memory_space<vmem>> -> memref<1x128xi32, #tpu.memory_space<vmem>>
    %dma_start3A_58 = tpu.memref_squeeze %dma_start3A_57 : memref<1x128xi32, #tpu.memory_space<vmem>> -> memref<128xi32, #tpu.memory_space<vmem>>
    %dma_start3A_59 = arith.constant 0 : i32
    %dma_start3A_60 = arith.constant 0 : i32
    %dma_start3A_61 = tpu.memref_slice %arg3[%dma_start3A_59, %dma_start3A_60] : memref<1000000x64xf32, #tpu.memory_space<hbm>> -> memref<1000000x64xf32, #tpu.memory_space<hbm>>
    tpu.enqueue_indirect_dma source(%dma_start3A_61 : memref<1000000x64xf32, #tpu.memory_space<hbm>>) target(%dma_start3A_55 : memref<128x64xf32, #tpu.memory_space<vmem>>) offsets(%dma_start3A_58 : memref<128xi32, #tpu.memory_space<vmem>>) semaphore(%arg7 : memref<!tpu.dma_semaphore, #tpu.memory_space<semaphore_mem>>)
    %scan3A = arith.constant 0 : i32
    %scan3A_62 = arith.constant 0 : i32
    %scan3A_63 = arith.constant 25 : i32
    %scan3A_64 = arith.addi %scan3A_62, %scan3A_63 : i32
    %scan3A_65 = arith.constant 1 : i32
    scf.for %scan3A_83 = %scan3A_62 to %scan3A_64 step %scan3A_65  : i32 {
      %mul3A_84 = arith.constant 2 : i32
      %mul3A_85 = arith.muli %scan3A_83, %mul3A_84 : i32
      %add3A_86 = arith.constant 0 : i32
      %add3A_87 = arith.addi %mul3A_85, %add3A_86 : i32
      %gt3A = arith.constant 0 : i32
      %gt3A_88 = arith.cmpi sgt, %add3A_87, %gt3A : i32
      %convert_element_type3A = arith.extui %gt3A_88 : i1 to i32
      %cond3A = arith.constant 0 : i32
      %cond3A_89 = arith.cmpi ne, %convert_element_type3A, %cond3A : i32
      scf.if %cond3A_89 {
        %sub3A = arith.constant 1 : i32
        %sub3A_292 = arith.subi %add3A_87, %sub3A : i32
        %mul3A_293 = arith.constant 128 : i32
        %mul3A_294 = arith.muli %mul3A_2, %mul3A_293 : i32
        %mul3A_295 = arith.constant 512 : i32
        %mul3A_296 = arith.muli %sub3A_292, %mul3A_295 : i32
        %add3A_297 = arith.addi %mul3A_294, %mul3A_296 : i32
        %dma_wait3A_298 = arith.constant 1 : i32
        %dma_wait3A_299 = arith.constant 0 : i32
        %dma_wait3A_300 = arith.constant 0 : i32
        %dma_wait3A_301 = tpu.memref_slice %arg6[%dma_wait3A_298, %dma_wait3A_299, %dma_wait3A_300] : memref<2x512x64xf32, #tpu.memory_space<vmem>> -> memref<1x512x64xf32, #tpu.memory_space<vmem>>
        %dma_wait3A_302 = tpu.memref_squeeze %dma_wait3A_301 : memref<1x512x64xf32, #tpu.memory_space<vmem>> -> memref<512x64xf32, #tpu.memory_space<vmem>>
        %dma_wait3A_303 = arith.constant 0 : i32
        %dma_wait3A_304 = tpu.memref_slice %arg4[%add3A_297, %dma_wait3A_303] : memref<819200x64xf32, #tpu.memory_space<hbm>> -> memref<512x64xf32, #tpu.memory_space<hbm>>
        %dma_wait3A_305 = arith.constant 0 : i32
        %dma_wait3A_306 = tpu.memref_slice %arg4[%add3A_297, %dma_wait3A_305] : memref<819200x64xf32, #tpu.memory_space<hbm>> -> memref<512x64xf32, #tpu.memory_space<hbm>>
        %dma_wait3A_307 = arith.constant 0 : i32
        %dma_wait3A_308 = arith.constant 0 : i32
        %dma_wait3A_309 = tpu.memref_slice %arg6[%dma_wait3A_298, %dma_wait3A_307, %dma_wait3A_308] : memref<2x512x64xf32, #tpu.memory_space<vmem>> -> memref<1x512x64xf32, #tpu.memory_space<vmem>>
        %dma_wait3A_310 = tpu.memref_squeeze %dma_wait3A_309 : memref<1x512x64xf32, #tpu.memory_space<vmem>> -> memref<512x64xf32, #tpu.memory_space<vmem>>
        tpu.wait_dma2 semaphore(%arg9 : memref<!tpu.dma_semaphore, #tpu.memory_space<semaphore_mem>>) src(%dma_wait3A_310 : memref<512x64xf32, #tpu.memory_space<vmem>>) dst(%dma_wait3A_306 : memref<512x64xf32, #tpu.memory_space<hbm>>)
      } else {
      }
      %add3A_90 = arith.constant 1 : i32
      %add3A_91 = arith.addi %add3A_87, %add3A_90 : i32
      %lt3A = arith.constant 50 : i32
      %lt3A_92 = arith.cmpi slt, %add3A_91, %lt3A : i32
      %convert_element_type3A_93 = arith.extui %lt3A_92 : i1 to i32
      %cond3A_94 = arith.constant 0 : i32
      %cond3A_95 = arith.cmpi ne, %convert_element_type3A_93, %cond3A_94 : i32
      scf.if %cond3A_95 {
        %add3A_292 = arith.constant 1 : i32
        %add3A_293 = arith.addi %add3A_87, %add3A_292 : i32
        %mul3A_294 = arith.constant 4 : i32
        %mul3A_295 = arith.muli %add3A_293, %mul3A_294 : i32
        %add3A_296 = arith.constant 0 : i32
        %add3A_297 = arith.addi %mul3A_295, %add3A_296 : i32
        %dma_start3A_298 = arith.constant 1 : i32
        %dma_start3A_299 = arith.constant 0 : i32
        %dma_start3A_300 = arith.constant 0 : i32
        %dma_start3A_301 = tpu.memref_slice %arg6[%dma_start3A_298, %dma_start3A_299, %dma_start3A_300] : memref<2x512x64xf32, #tpu.memory_space<vmem>> -> memref<1x512x64xf32, #tpu.memory_space<vmem>>
        %dma_start3A_302 = tpu.memref_squeeze %dma_start3A_301 : memref<1x512x64xf32, #tpu.memory_space<vmem>> -> memref<512x64xf32, #tpu.memory_space<vmem>>
        %dma_start3A_303 = arith.constant 0 : i32
        %dma_start3A_304 = arith.constant 0 : i32
        %dma_start3A_305 = tpu.memref_slice %dma_start3A_302[%dma_start3A_303, %dma_start3A_304] : memref<512x64xf32, #tpu.memory_space<vmem>> -> memref<128x64xf32, #tpu.memory_space<vmem>>
        %dma_start3A_306 = arith.constant 0 : i32
        %dma_start3A_307 = tpu.memref_slice %arg5[%add3A_297, %dma_start3A_306] : memref<200x128xi32, #tpu.memory_space<vmem>> -> memref<1x128xi32, #tpu.memory_space<vmem>>
        %dma_start3A_308 = tpu.memref_squeeze %dma_start3A_307 : memref<1x128xi32, #tpu.memory_space<vmem>> -> memref<128xi32, #tpu.memory_space<vmem>>
        %dma_start3A_309 = arith.constant 0 : i32
        %dma_start3A_310 = arith.constant 0 : i32
        %dma_start3A_311 = tpu.memref_slice %arg3[%dma_start3A_309, %dma_start3A_310] : memref<1000000x64xf32, #tpu.memory_space<hbm>> -> memref<1000000x64xf32, #tpu.memory_space<hbm>>
        tpu.enqueue_indirect_dma source(%dma_start3A_311 : memref<1000000x64xf32, #tpu.memory_space<hbm>>) target(%dma_start3A_305 : memref<128x64xf32, #tpu.memory_space<vmem>>) offsets(%dma_start3A_308 : memref<128xi32, #tpu.memory_space<vmem>>) semaphore(%arg8 : memref<!tpu.dma_semaphore, #tpu.memory_space<semaphore_mem>>)
        %mul3A_312 = arith.constant 4 : i32
        %mul3A_313 = arith.muli %add3A_293, %mul3A_312 : i32
        %add3A_314 = arith.constant 1 : i32
        %add3A_315 = arith.addi %mul3A_313, %add3A_314 : i32
        %dma_start3A_316 = arith.constant 1 : i32
        %dma_start3A_317 = arith.constant 0 : i32
        %dma_start3A_318 = arith.constant 0 : i32
        %dma_start3A_319 = tpu.memref_slice %arg6[%dma_start3A_316, %dma_start3A_317, %dma_start3A_318] : memref<2x512x64xf32, #tpu.memory_space<vmem>> -> memref<1x512x64xf32, #tpu.memory_space<vmem>>
        %dma_start3A_320 = tpu.memref_squeeze %dma_start3A_319 : memref<1x512x64xf32, #tpu.memory_space<vmem>> -> memref<512x64xf32, #tpu.memory_space<vmem>>
        %dma_start3A_321 = arith.constant 128 : i32
        %dma_start3A_322 = arith.constant 0 : i32
        %dma_start3A_323 = tpu.memref_slice %dma_start3A_320[%dma_start3A_321, %dma_start3A_322] : memref<512x64xf32, #tpu.memory_space<vmem>> -> memref<128x64xf32, #tpu.memory_space<vmem>>
        %dma_start3A_324 = arith.constant 0 : i32
        %dma_start3A_325 = tpu.memref_slice %arg5[%add3A_315, %dma_start3A_324] : memref<200x128xi32, #tpu.memory_space<vmem>> -> memref<1x128xi32, #tpu.memory_space<vmem>>
        %dma_start3A_326 = tpu.memref_squeeze %dma_start3A_325 : memref<1x128xi32, #tpu.memory_space<vmem>> -> memref<128xi32, #tpu.memory_space<vmem>>
        %dma_start3A_327 = arith.constant 0 : i32
        %dma_start3A_328 = arith.constant 0 : i32
        %dma_start3A_329 = tpu.memref_slice %arg3[%dma_start3A_327, %dma_start3A_328] : memref<1000000x64xf32, #tpu.memory_space<hbm>> -> memref<1000000x64xf32, #tpu.memory_space<hbm>>
        tpu.enqueue_indirect_dma source(%dma_start3A_329 : memref<1000000x64xf32, #tpu.memory_space<hbm>>) target(%dma_start3A_323 : memref<128x64xf32, #tpu.memory_space<vmem>>) offsets(%dma_start3A_326 : memref<128xi32, #tpu.memory_space<vmem>>) semaphore(%arg8 : memref<!tpu.dma_semaphore, #tpu.memory_space<semaphore_mem>>)
        %mul3A_330 = arith.constant 4 : i32
        %mul3A_331 = arith.muli %add3A_293, %mul3A_330 : i32
        %add3A_332 = arith.constant 2 : i32
        %add3A_333 = arith.addi %mul3A_331, %add3A_332 : i32
        %dma_start3A_334 = arith.constant 1 : i32
        %dma_start3A_335 = arith.constant 0 : i32
        %dma_start3A_336 = arith.constant 0 : i32
        %dma_start3A_337 = tpu.memref_slice %arg6[%dma_start3A_334, %dma_start3A_335, %dma_start3A_336] : memref<2x512x64xf32, #tpu.memory_space<vmem>> -> memref<1x512x64xf32, #tpu.memory_space<vmem>>
        %dma_start3A_338 = tpu.memref_squeeze %dma_start3A_337 : memref<1x512x64xf32, #tpu.memory_space<vmem>> -> memref<512x64xf32, #tpu.memory_space<vmem>>
        %dma_start3A_339 = arith.constant 256 : i32
        %dma_start3A_340 = arith.constant 0 : i32
        %dma_start3A_341 = tpu.memref_slice %dma_start3A_338[%dma_start3A_339, %dma_start3A_340] : memref<512x64xf32, #tpu.memory_space<vmem>> -> memref<128x64xf32, #tpu.memory_space<vmem>>
        %dma_start3A_342 = arith.constant 0 : i32
        %dma_start3A_343 = tpu.memref_slice %arg5[%add3A_333, %dma_start3A_342] : memref<200x128xi32, #tpu.memory_space<vmem>> -> memref<1x128xi32, #tpu.memory_space<vmem>>
        %dma_start3A_344 = tpu.memref_squeeze %dma_start3A_343 : memref<1x128xi32, #tpu.memory_space<vmem>> -> memref<128xi32, #tpu.memory_space<vmem>>
        %dma_start3A_345 = arith.constant 0 : i32
        %dma_start3A_346 = arith.constant 0 : i32
        %dma_start3A_347 = tpu.memref_slice %arg3[%dma_start3A_345, %dma_start3A_346] : memref<1000000x64xf32, #tpu.memory_space<hbm>> -> memref<1000000x64xf32, #tpu.memory_space<hbm>>
        tpu.enqueue_indirect_dma source(%dma_start3A_347 : memref<1000000x64xf32, #tpu.memory_space<hbm>>) target(%dma_start3A_341 : memref<128x64xf32, #tpu.memory_space<vmem>>) offsets(%dma_start3A_344 : memref<128xi32, #tpu.memory_space<vmem>>) semaphore(%arg8 : memref<!tpu.dma_semaphore, #tpu.memory_space<semaphore_mem>>)
        %mul3A_348 = arith.constant 4 : i32
        %mul3A_349 = arith.muli %add3A_293, %mul3A_348 : i32
        %add3A_350 = arith.constant 3 : i32
        %add3A_351 = arith.addi %mul3A_349, %add3A_350 : i32
        %dma_start3A_352 = arith.constant 1 : i32
        %dma_start3A_353 = arith.constant 0 : i32
        %dma_start3A_354 = arith.constant 0 : i32
        %dma_start3A_355 = tpu.memref_slice %arg6[%dma_start3A_352, %dma_start3A_353, %dma_start3A_354] : memref<2x512x64xf32, #tpu.memory_space<vmem>> -> memref<1x512x64xf32, #tpu.memory_space<vmem>>
        %dma_start3A_356 = tpu.memref_squeeze %dma_start3A_355 : memref<1x512x64xf32, #tpu.memory_space<vmem>> -> memref<512x64xf32, #tpu.memory_space<vmem>>
        %dma_start3A_357 = arith.constant 384 : i32
        %dma_start3A_358 = arith.constant 0 : i32
        %dma_start3A_359 = tpu.memref_slice %dma_start3A_356[%dma_start3A_357, %dma_start3A_358] : memref<512x64xf32, #tpu.memory_space<vmem>> -> memref<128x64xf32, #tpu.memory_space<vmem>>
        %dma_start3A_360 = arith.constant 0 : i32
        %dma_start3A_361 = tpu.memref_slice %arg5[%add3A_351, %dma_start3A_360] : memref<200x128xi32, #tpu.memory_space<vmem>> -> memref<1x128xi32, #tpu.memory_space<vmem>>
        %dma_start3A_362 = tpu.memref_squeeze %dma_start3A_361 : memref<1x128xi32, #tpu.memory_space<vmem>> -> memref<128xi32, #tpu.memory_space<vmem>>
        %dma_start3A_363 = arith.constant 0 : i32
        %dma_start3A_364 = arith.constant 0 : i32
        %dma_start3A_365 = tpu.memref_slice %arg3[%dma_start3A_363, %dma_start3A_364] : memref<1000000x64xf32, #tpu.memory_space<hbm>> -> memref<1000000x64xf32, #tpu.memory_space<hbm>>
        tpu.enqueue_indirect_dma source(%dma_start3A_365 : memref<1000000x64xf32, #tpu.memory_space<hbm>>) target(%dma_start3A_359 : memref<128x64xf32, #tpu.memory_space<vmem>>) offsets(%dma_start3A_362 : memref<128xi32, #tpu.memory_space<vmem>>) semaphore(%arg8 : memref<!tpu.dma_semaphore, #tpu.memory_space<semaphore_mem>>)
      } else {
      }
      %mul3A_96 = arith.constant 4 : i32
      %mul3A_97 = arith.muli %add3A_87, %mul3A_96 : i32
      %add3A_98 = arith.constant 0 : i32
      %add3A_99 = arith.addi %mul3A_97, %add3A_98 : i32
      %dma_wait3A_100 = arith.constant 0 : i32
      %dma_wait3A_101 = arith.constant 0 : i32
      %dma_wait3A_102 = arith.constant 0 : i32
      %dma_wait3A_103 = tpu.memref_slice %arg6[%dma_wait3A_100, %dma_wait3A_101, %dma_wait3A_102] : memref<2x512x64xf32, #tpu.memory_space<vmem>> -> memref<1x512x64xf32, #tpu.memory_space<vmem>>
      %dma_wait3A_104 = tpu.memref_squeeze %dma_wait3A_103 : memref<1x512x64xf32, #tpu.memory_space<vmem>> -> memref<512x64xf32, #tpu.memory_space<vmem>>
      %dma_wait3A_105 = arith.constant 0 : i32
      %dma_wait3A_106 = arith.constant 0 : i32
      %dma_wait3A_107 = tpu.memref_slice %dma_wait3A_104[%dma_wait3A_105, %dma_wait3A_106] : memref<512x64xf32, #tpu.memory_space<vmem>> -> memref<128x64xf32, #tpu.memory_space<vmem>>
      %dma_wait3A_108 = arith.constant 0 : i32
      %dma_wait3A_109 = tpu.memref_slice %arg5[%add3A_99, %dma_wait3A_108] : memref<200x128xi32, #tpu.memory_space<vmem>> -> memref<1x128xi32, #tpu.memory_space<vmem>>
      %dma_wait3A_110 = tpu.memref_squeeze %dma_wait3A_109 : memref<1x128xi32, #tpu.memory_space<vmem>> -> memref<128xi32, #tpu.memory_space<vmem>>
      %dma_wait3A_111 = arith.constant 0 : i32
      %dma_wait3A_112 = arith.constant 0 : i32
      %dma_wait3A_113 = tpu.memref_slice %arg3[%dma_wait3A_111, %dma_wait3A_112] : memref<1000000x64xf32, #tpu.memory_space<hbm>> -> memref<1000000x64xf32, #tpu.memory_space<hbm>>
      tpu.wait_indirect_dma semaphore(%arg7 : memref<!tpu.dma_semaphore, #tpu.memory_space<semaphore_mem>>) src(%dma_wait3A_113 : memref<1000000x64xf32, #tpu.memory_space<hbm>>) dst(%dma_wait3A_107 : memref<128x64xf32, #tpu.memory_space<vmem>>)
      %mul3A_114 = arith.constant 4 : i32
      %mul3A_115 = arith.muli %add3A_87, %mul3A_114 : i32
      %add3A_116 = arith.constant 1 : i32
      %add3A_117 = arith.addi %mul3A_115, %add3A_116 : i32
      %dma_wait3A_118 = arith.constant 0 : i32
      %dma_wait3A_119 = arith.constant 0 : i32
      %dma_wait3A_120 = arith.constant 0 : i32
      %dma_wait3A_121 = tpu.memref_slice %arg6[%dma_wait3A_118, %dma_wait3A_119, %dma_wait3A_120] : memref<2x512x64xf32, #tpu.memory_space<vmem>> -> memref<1x512x64xf32, #tpu.memory_space<vmem>>
      %dma_wait3A_122 = tpu.memref_squeeze %dma_wait3A_121 : memref<1x512x64xf32, #tpu.memory_space<vmem>> -> memref<512x64xf32, #tpu.memory_space<vmem>>
      %dma_wait3A_123 = arith.constant 128 : i32
      %dma_wait3A_124 = arith.constant 0 : i32
      %dma_wait3A_125 = tpu.memref_slice %dma_wait3A_122[%dma_wait3A_123, %dma_wait3A_124] : memref<512x64xf32, #tpu.memory_space<vmem>> -> memref<128x64xf32, #tpu.memory_space<vmem>>
      %dma_wait3A_126 = arith.constant 0 : i32
      %dma_wait3A_127 = tpu.memref_slice %arg5[%add3A_117, %dma_wait3A_126] : memref<200x128xi32, #tpu.memory_space<vmem>> -> memref<1x128xi32, #tpu.memory_space<vmem>>
      %dma_wait3A_128 = tpu.memref_squeeze %dma_wait3A_127 : memref<1x128xi32, #tpu.memory_space<vmem>> -> memref<128xi32, #tpu.memory_space<vmem>>
      %dma_wait3A_129 = arith.constant 0 : i32
      %dma_wait3A_130 = arith.constant 0 : i32
      %dma_wait3A_131 = tpu.memref_slice %arg3[%dma_wait3A_129, %dma_wait3A_130] : memref<1000000x64xf32, #tpu.memory_space<hbm>> -> memref<1000000x64xf32, #tpu.memory_space<hbm>>
      tpu.wait_indirect_dma semaphore(%arg7 : memref<!tpu.dma_semaphore, #tpu.memory_space<semaphore_mem>>) src(%dma_wait3A_131 : memref<1000000x64xf32, #tpu.memory_space<hbm>>) dst(%dma_wait3A_125 : memref<128x64xf32, #tpu.memory_space<vmem>>)
      %mul3A_132 = arith.constant 4 : i32
      %mul3A_133 = arith.muli %add3A_87, %mul3A_132 : i32
      %add3A_134 = arith.constant 2 : i32
      %add3A_135 = arith.addi %mul3A_133, %add3A_134 : i32
      %dma_wait3A_136 = arith.constant 0 : i32
      %dma_wait3A_137 = arith.constant 0 : i32
      %dma_wait3A_138 = arith.constant 0 : i32
      %dma_wait3A_139 = tpu.memref_slice %arg6[%dma_wait3A_136, %dma_wait3A_137, %dma_wait3A_138] : memref<2x512x64xf32, #tpu.memory_space<vmem>> -> memref<1x512x64xf32, #tpu.memory_space<vmem>>
      %dma_wait3A_140 = tpu.memref_squeeze %dma_wait3A_139 : memref<1x512x64xf32, #tpu.memory_space<vmem>> -> memref<512x64xf32, #tpu.memory_space<vmem>>
      %dma_wait3A_141 = arith.constant 256 : i32
      %dma_wait3A_142 = arith.constant 0 : i32
      %dma_wait3A_143 = tpu.memref_slice %dma_wait3A_140[%dma_wait3A_141, %dma_wait3A_142] : memref<512x64xf32, #tpu.memory_space<vmem>> -> memref<128x64xf32, #tpu.memory_space<vmem>>
      %dma_wait3A_144 = arith.constant 0 : i32
      %dma_wait3A_145 = tpu.memref_slice %arg5[%add3A_135, %dma_wait3A_144] : memref<200x128xi32, #tpu.memory_space<vmem>> -> memref<1x128xi32, #tpu.memory_space<vmem>>
      %dma_wait3A_146 = tpu.memref_squeeze %dma_wait3A_145 : memref<1x128xi32, #tpu.memory_space<vmem>> -> memref<128xi32, #tpu.memory_space<vmem>>
      %dma_wait3A_147 = arith.constant 0 : i32
      %dma_wait3A_148 = arith.constant 0 : i32
      %dma_wait3A_149 = tpu.memref_slice %arg3[%dma_wait3A_147, %dma_wait3A_148] : memref<1000000x64xf32, #tpu.memory_space<hbm>> -> memref<1000000x64xf32, #tpu.memory_space<hbm>>
      tpu.wait_indirect_dma semaphore(%arg7 : memref<!tpu.dma_semaphore, #tpu.memory_space<semaphore_mem>>) src(%dma_wait3A_149 : memref<1000000x64xf32, #tpu.memory_space<hbm>>) dst(%dma_wait3A_143 : memref<128x64xf32, #tpu.memory_space<vmem>>)
      %mul3A_150 = arith.constant 4 : i32
      %mul3A_151 = arith.muli %add3A_87, %mul3A_150 : i32
      %add3A_152 = arith.constant 3 : i32
      %add3A_153 = arith.addi %mul3A_151, %add3A_152 : i32
      %dma_wait3A_154 = arith.constant 0 : i32
      %dma_wait3A_155 = arith.constant 0 : i32
      %dma_wait3A_156 = arith.constant 0 : i32
      %dma_wait3A_157 = tpu.memref_slice %arg6[%dma_wait3A_154, %dma_wait3A_155, %dma_wait3A_156] : memref<2x512x64xf32, #tpu.memory_space<vmem>> -> memref<1x512x64xf32, #tpu.memory_space<vmem>>
      %dma_wait3A_158 = tpu.memref_squeeze %dma_wait3A_157 : memref<1x512x64xf32, #tpu.memory_space<vmem>> -> memref<512x64xf32, #tpu.memory_space<vmem>>
      %dma_wait3A_159 = arith.constant 384 : i32
      %dma_wait3A_160 = arith.constant 0 : i32
      %dma_wait3A_161 = tpu.memref_slice %dma_wait3A_158[%dma_wait3A_159, %dma_wait3A_160] : memref<512x64xf32, #tpu.memory_space<vmem>> -> memref<128x64xf32, #tpu.memory_space<vmem>>
      %dma_wait3A_162 = arith.constant 0 : i32
      %dma_wait3A_163 = tpu.memref_slice %arg5[%add3A_153, %dma_wait3A_162] : memref<200x128xi32, #tpu.memory_space<vmem>> -> memref<1x128xi32, #tpu.memory_space<vmem>>
      %dma_wait3A_164 = tpu.memref_squeeze %dma_wait3A_163 : memref<1x128xi32, #tpu.memory_space<vmem>> -> memref<128xi32, #tpu.memory_space<vmem>>
      %dma_wait3A_165 = arith.constant 0 : i32
      %dma_wait3A_166 = arith.constant 0 : i32
      %dma_wait3A_167 = tpu.memref_slice %arg3[%dma_wait3A_165, %dma_wait3A_166] : memref<1000000x64xf32, #tpu.memory_space<hbm>> -> memref<1000000x64xf32, #tpu.memory_space<hbm>>
      tpu.wait_indirect_dma semaphore(%arg7 : memref<!tpu.dma_semaphore, #tpu.memory_space<semaphore_mem>>) src(%dma_wait3A_167 : memref<1000000x64xf32, #tpu.memory_space<hbm>>) dst(%dma_wait3A_161 : memref<128x64xf32, #tpu.memory_space<vmem>>)
      %mul3A_168 = arith.constant 128 : i32
      %mul3A_169 = arith.muli %mul3A_2, %mul3A_168 : i32
      %mul3A_170 = arith.constant 512 : i32
      %mul3A_171 = arith.muli %add3A_87, %mul3A_170 : i32
      %add3A_172 = arith.addi %mul3A_169, %mul3A_171 : i32
      %dma_start3A_173 = arith.constant 0 : i32
      %dma_start3A_174 = arith.constant 0 : i32
      %dma_start3A_175 = arith.constant 0 : i32
      %dma_start3A_176 = tpu.memref_slice %arg6[%dma_start3A_173, %dma_start3A_174, %dma_start3A_175] : memref<2x512x64xf32, #tpu.memory_space<vmem>> -> memref<1x512x64xf32, #tpu.memory_space<vmem>>
      %dma_start3A_177 = tpu.memref_squeeze %dma_start3A_176 : memref<1x512x64xf32, #tpu.memory_space<vmem>> -> memref<512x64xf32, #tpu.memory_space<vmem>>
      %dma_start3A_178 = arith.constant 0 : i32
      %dma_start3A_179 = tpu.memref_slice %arg4[%add3A_172, %dma_start3A_178] : memref<819200x64xf32, #tpu.memory_space<hbm>> -> memref<512x64xf32, #tpu.memory_space<hbm>>
      %dma_start3A_180 = arith.constant 0 : i32
      %dma_start3A_181 = tpu.memref_slice %arg4[%add3A_172, %dma_start3A_180] : memref<819200x64xf32, #tpu.memory_space<hbm>> -> memref<512x64xf32, #tpu.memory_space<hbm>>
      %dma_start3A_182 = arith.constant 0 : i32
      %dma_start3A_183 = arith.constant 0 : i32
      %dma_start3A_184 = tpu.memref_slice %arg6[%dma_start3A_173, %dma_start3A_182, %dma_start3A_183] : memref<2x512x64xf32, #tpu.memory_space<vmem>> -> memref<1x512x64xf32, #tpu.memory_space<vmem>>
      %dma_start3A_185 = tpu.memref_squeeze %dma_start3A_184 : memref<1x512x64xf32, #tpu.memory_space<vmem>> -> memref<512x64xf32, #tpu.memory_space<vmem>>
      tpu.enqueue_dma source(%dma_start3A_185 : memref<512x64xf32, #tpu.memory_space<vmem>>) target(%dma_start3A_181 : memref<512x64xf32, #tpu.memory_space<hbm>>) target_semaphore(%arg9 : memref<!tpu.dma_semaphore, #tpu.memory_space<semaphore_mem>>)
      %mul3A_186 = arith.constant 2 : i32
      %mul3A_187 = arith.muli %scan3A_83, %mul3A_186 : i32
      %add3A_188 = arith.constant 1 : i32
      %add3A_189 = arith.addi %mul3A_187, %add3A_188 : i32
      %gt3A_190 = arith.constant 0 : i32
      %gt3A_191 = arith.cmpi sgt, %add3A_189, %gt3A_190 : i32
      %convert_element_type3A_192 = arith.extui %gt3A_191 : i1 to i32
      %cond3A_193 = arith.constant 0 : i32
      %cond3A_194 = arith.cmpi ne, %convert_element_type3A_192, %cond3A_193 : i32
      scf.if %cond3A_194 {
        %sub3A = arith.constant 1 : i32
        %sub3A_292 = arith.subi %add3A_189, %sub3A : i32
        %mul3A_293 = arith.constant 128 : i32
        %mul3A_294 = arith.muli %mul3A_2, %mul3A_293 : i32
        %mul3A_295 = arith.constant 512 : i32
        %mul3A_296 = arith.muli %sub3A_292, %mul3A_295 : i32
        %add3A_297 = arith.addi %mul3A_294, %mul3A_296 : i32
        %dma_wait3A_298 = arith.constant 0 : i32
        %dma_wait3A_299 = arith.constant 0 : i32
        %dma_wait3A_300 = arith.constant 0 : i32
        %dma_wait3A_301 = tpu.memref_slice %arg6[%dma_wait3A_298, %dma_wait3A_299, %dma_wait3A_300] : memref<2x512x64xf32, #tpu.memory_space<vmem>> -> memref<1x512x64xf32, #tpu.memory_space<vmem>>
        %dma_wait3A_302 = tpu.memref_squeeze %dma_wait3A_301 : memref<1x512x64xf32, #tpu.memory_space<vmem>> -> memref<512x64xf32, #tpu.memory_space<vmem>>
        %dma_wait3A_303 = arith.constant 0 : i32
        %dma_wait3A_304 = tpu.memref_slice %arg4[%add3A_297, %dma_wait3A_303] : memref<819200x64xf32, #tpu.memory_space<hbm>> -> memref<512x64xf32, #tpu.memory_space<hbm>>
        %dma_wait3A_305 = arith.constant 0 : i32
        %dma_wait3A_306 = tpu.memref_slice %arg4[%add3A_297, %dma_wait3A_305] : memref<819200x64xf32, #tpu.memory_space<hbm>> -> memref<512x64xf32, #tpu.memory_space<hbm>>
        %dma_wait3A_307 = arith.constant 0 : i32
        %dma_wait3A_308 = arith.constant 0 : i32
        %dma_wait3A_309 = tpu.memref_slice %arg6[%dma_wait3A_298, %dma_wait3A_307, %dma_wait3A_308] : memref<2x512x64xf32, #tpu.memory_space<vmem>> -> memref<1x512x64xf32, #tpu.memory_space<vmem>>
        %dma_wait3A_310 = tpu.memref_squeeze %dma_wait3A_309 : memref<1x512x64xf32, #tpu.memory_space<vmem>> -> memref<512x64xf32, #tpu.memory_space<vmem>>
        tpu.wait_dma2 semaphore(%arg9 : memref<!tpu.dma_semaphore, #tpu.memory_space<semaphore_mem>>) src(%dma_wait3A_310 : memref<512x64xf32, #tpu.memory_space<vmem>>) dst(%dma_wait3A_306 : memref<512x64xf32, #tpu.memory_space<hbm>>)
      } else {
      }
      %add3A_195 = arith.constant 1 : i32
      %add3A_196 = arith.addi %add3A_189, %add3A_195 : i32
      %lt3A_197 = arith.constant 50 : i32
      %lt3A_198 = arith.cmpi slt, %add3A_196, %lt3A_197 : i32
      %convert_element_type3A_199 = arith.extui %lt3A_198 : i1 to i32
      %cond3A_200 = arith.constant 0 : i32
      %cond3A_201 = arith.cmpi ne, %convert_element_type3A_199, %cond3A_200 : i32
      scf.if %cond3A_201 {
        %add3A_292 = arith.constant 1 : i32
        %add3A_293 = arith.addi %add3A_189, %add3A_292 : i32
        %mul3A_294 = arith.constant 4 : i32
        %mul3A_295 = arith.muli %add3A_293, %mul3A_294 : i32
        %add3A_296 = arith.constant 0 : i32
        %add3A_297 = arith.addi %mul3A_295, %add3A_296 : i32
        %dma_start3A_298 = arith.constant 0 : i32
        %dma_start3A_299 = arith.constant 0 : i32
        %dma_start3A_300 = arith.constant 0 : i32
        %dma_start3A_301 = tpu.memref_slice %arg6[%dma_start3A_298, %dma_start3A_299, %dma_start3A_300] : memref<2x512x64xf32, #tpu.memory_space<vmem>> -> memref<1x512x64xf32, #tpu.memory_space<vmem>>
        %dma_start3A_302 = tpu.memref_squeeze %dma_start3A_301 : memref<1x512x64xf32, #tpu.memory_space<vmem>> -> memref<512x64xf32, #tpu.memory_space<vmem>>
        %dma_start3A_303 = arith.constant 0 : i32
        %dma_start3A_304 = arith.constant 0 : i32
        %dma_start3A_305 = tpu.memref_slice %dma_start3A_302[%dma_start3A_303, %dma_start3A_304] : memref<512x64xf32, #tpu.memory_space<vmem>> -> memref<128x64xf32, #tpu.memory_space<vmem>>
        %dma_start3A_306 = arith.constant 0 : i32
        %dma_start3A_307 = tpu.memref_slice %arg5[%add3A_297, %dma_start3A_306] : memref<200x128xi32, #tpu.memory_space<vmem>> -> memref<1x128xi32, #tpu.memory_space<vmem>>
        %dma_start3A_308 = tpu.memref_squeeze %dma_start3A_307 : memref<1x128xi32, #tpu.memory_space<vmem>> -> memref<128xi32, #tpu.memory_space<vmem>>
        %dma_start3A_309 = arith.constant 0 : i32
        %dma_start3A_310 = arith.constant 0 : i32
        %dma_start3A_311 = tpu.memref_slice %arg3[%dma_start3A_309, %dma_start3A_310] : memref<1000000x64xf32, #tpu.memory_space<hbm>> -> memref<1000000x64xf32, #tpu.memory_space<hbm>>
        tpu.enqueue_indirect_dma source(%dma_start3A_311 : memref<1000000x64xf32, #tpu.memory_space<hbm>>) target(%dma_start3A_305 : memref<128x64xf32, #tpu.memory_space<vmem>>) offsets(%dma_start3A_308 : memref<128xi32, #tpu.memory_space<vmem>>) semaphore(%arg7 : memref<!tpu.dma_semaphore, #tpu.memory_space<semaphore_mem>>)
        %mul3A_312 = arith.constant 4 : i32
        %mul3A_313 = arith.muli %add3A_293, %mul3A_312 : i32
        %add3A_314 = arith.constant 1 : i32
        %add3A_315 = arith.addi %mul3A_313, %add3A_314 : i32
        %dma_start3A_316 = arith.constant 0 : i32
        %dma_start3A_317 = arith.constant 0 : i32
        %dma_start3A_318 = arith.constant 0 : i32
        %dma_start3A_319 = tpu.memref_slice %arg6[%dma_start3A_316, %dma_start3A_317, %dma_start3A_318] : memref<2x512x64xf32, #tpu.memory_space<vmem>> -> memref<1x512x64xf32, #tpu.memory_space<vmem>>
        %dma_start3A_320 = tpu.memref_squeeze %dma_start3A_319 : memref<1x512x64xf32, #tpu.memory_space<vmem>> -> memref<512x64xf32, #tpu.memory_space<vmem>>
        %dma_start3A_321 = arith.constant 128 : i32
        %dma_start3A_322 = arith.constant 0 : i32
        %dma_start3A_323 = tpu.memref_slice %dma_start3A_320[%dma_start3A_321, %dma_start3A_322] : memref<512x64xf32, #tpu.memory_space<vmem>> -> memref<128x64xf32, #tpu.memory_space<vmem>>
        %dma_start3A_324 = arith.constant 0 : i32
        %dma_start3A_325 = tpu.memref_slice %arg5[%add3A_315, %dma_start3A_324] : memref<200x128xi32, #tpu.memory_space<vmem>> -> memref<1x128xi32, #tpu.memory_space<vmem>>
        %dma_start3A_326 = tpu.memref_squeeze %dma_start3A_325 : memref<1x128xi32, #tpu.memory_space<vmem>> -> memref<128xi32, #tpu.memory_space<vmem>>
        %dma_start3A_327 = arith.constant 0 : i32
        %dma_start3A_328 = arith.constant 0 : i32
        %dma_start3A_329 = tpu.memref_slice %arg3[%dma_start3A_327, %dma_start3A_328] : memref<1000000x64xf32, #tpu.memory_space<hbm>> -> memref<1000000x64xf32, #tpu.memory_space<hbm>>
        tpu.enqueue_indirect_dma source(%dma_start3A_329 : memref<1000000x64xf32, #tpu.memory_space<hbm>>) target(%dma_start3A_323 : memref<128x64xf32, #tpu.memory_space<vmem>>) offsets(%dma_start3A_326 : memref<128xi32, #tpu.memory_space<vmem>>) semaphore(%arg7 : memref<!tpu.dma_semaphore, #tpu.memory_space<semaphore_mem>>)
        %mul3A_330 = arith.constant 4 : i32
        %mul3A_331 = arith.muli %add3A_293, %mul3A_330 : i32
        %add3A_332 = arith.constant 2 : i32
        %add3A_333 = arith.addi %mul3A_331, %add3A_332 : i32
        %dma_start3A_334 = arith.constant 0 : i32
        %dma_start3A_335 = arith.constant 0 : i32
        %dma_start3A_336 = arith.constant 0 : i32
        %dma_start3A_337 = tpu.memref_slice %arg6[%dma_start3A_334, %dma_start3A_335, %dma_start3A_336] : memref<2x512x64xf32, #tpu.memory_space<vmem>> -> memref<1x512x64xf32, #tpu.memory_space<vmem>>
        %dma_start3A_338 = tpu.memref_squeeze %dma_start3A_337 : memref<1x512x64xf32, #tpu.memory_space<vmem>> -> memref<512x64xf32, #tpu.memory_space<vmem>>
        %dma_start3A_339 = arith.constant 256 : i32
        %dma_start3A_340 = arith.constant 0 : i32
        %dma_start3A_341 = tpu.memref_slice %dma_start3A_338[%dma_start3A_339, %dma_start3A_340] : memref<512x64xf32, #tpu.memory_space<vmem>> -> memref<128x64xf32, #tpu.memory_space<vmem>>
        %dma_start3A_342 = arith.constant 0 : i32
        %dma_start3A_343 = tpu.memref_slice %arg5[%add3A_333, %dma_start3A_342] : memref<200x128xi32, #tpu.memory_space<vmem>> -> memref<1x128xi32, #tpu.memory_space<vmem>>
        %dma_start3A_344 = tpu.memref_squeeze %dma_start3A_343 : memref<1x128xi32, #tpu.memory_space<vmem>> -> memref<128xi32, #tpu.memory_space<vmem>>
        %dma_start3A_345 = arith.constant 0 : i32
        %dma_start3A_346 = arith.constant 0 : i32
        %dma_start3A_347 = tpu.memref_slice %arg3[%dma_start3A_345, %dma_start3A_346] : memref<1000000x64xf32, #tpu.memory_space<hbm>> -> memref<1000000x64xf32, #tpu.memory_space<hbm>>
        tpu.enqueue_indirect_dma source(%dma_start3A_347 : memref<1000000x64xf32, #tpu.memory_space<hbm>>) target(%dma_start3A_341 : memref<128x64xf32, #tpu.memory_space<vmem>>) offsets(%dma_start3A_344 : memref<128xi32, #tpu.memory_space<vmem>>) semaphore(%arg7 : memref<!tpu.dma_semaphore, #tpu.memory_space<semaphore_mem>>)
        %mul3A_348 = arith.constant 4 : i32
        %mul3A_349 = arith.muli %add3A_293, %mul3A_348 : i32
        %add3A_350 = arith.constant 3 : i32
        %add3A_351 = arith.addi %mul3A_349, %add3A_350 : i32
        %dma_start3A_352 = arith.constant 0 : i32
        %dma_start3A_353 = arith.constant 0 : i32
        %dma_start3A_354 = arith.constant 0 : i32
        %dma_start3A_355 = tpu.memref_slice %arg6[%dma_start3A_352, %dma_start3A_353, %dma_start3A_354] : memref<2x512x64xf32, #tpu.memory_space<vmem>> -> memref<1x512x64xf32, #tpu.memory_space<vmem>>
        %dma_start3A_356 = tpu.memref_squeeze %dma_start3A_355 : memref<1x512x64xf32, #tpu.memory_space<vmem>> -> memref<512x64xf32, #tpu.memory_space<vmem>>
        %dma_start3A_357 = arith.constant 384 : i32
        %dma_start3A_358 = arith.constant 0 : i32
        %dma_start3A_359 = tpu.memref_slice %dma_start3A_356[%dma_start3A_357, %dma_start3A_358] : memref<512x64xf32, #tpu.memory_space<vmem>> -> memref<128x64xf32, #tpu.memory_space<vmem>>
        %dma_start3A_360 = arith.constant 0 : i32
        %dma_start3A_361 = tpu.memref_slice %arg5[%add3A_351, %dma_start3A_360] : memref<200x128xi32, #tpu.memory_space<vmem>> -> memref<1x128xi32, #tpu.memory_space<vmem>>
        %dma_start3A_362 = tpu.memref_squeeze %dma_start3A_361 : memref<1x128xi32, #tpu.memory_space<vmem>> -> memref<128xi32, #tpu.memory_space<vmem>>
        %dma_start3A_363 = arith.constant 0 : i32
        %dma_start3A_364 = arith.constant 0 : i32
        %dma_start3A_365 = tpu.memref_slice %arg3[%dma_start3A_363, %dma_start3A_364] : memref<1000000x64xf32, #tpu.memory_space<hbm>> -> memref<1000000x64xf32, #tpu.memory_space<hbm>>
        tpu.enqueue_indirect_dma source(%dma_start3A_365 : memref<1000000x64xf32, #tpu.memory_space<hbm>>) target(%dma_start3A_359 : memref<128x64xf32, #tpu.memory_space<vmem>>) offsets(%dma_start3A_362 : memref<128xi32, #tpu.memory_space<vmem>>) semaphore(%arg7 : memref<!tpu.dma_semaphore, #tpu.memory_space<semaphore_mem>>)
      } else {
      }
      %mul3A_202 = arith.constant 4 : i32
      %mul3A_203 = arith.muli %add3A_189, %mul3A_202 : i32
      %add3A_204 = arith.constant 0 : i32
      %add3A_205 = arith.addi %mul3A_203, %add3A_204 : i32
      %dma_wait3A_206 = arith.constant 1 : i32
      %dma_wait3A_207 = arith.constant 0 : i32
      %dma_wait3A_208 = arith.constant 0 : i32
      %dma_wait3A_209 = tpu.memref_slice %arg6[%dma_wait3A_206, %dma_wait3A_207, %dma_wait3A_208] : memref<2x512x64xf32, #tpu.memory_space<vmem>> -> memref<1x512x64xf32, #tpu.memory_space<vmem>>
      %dma_wait3A_210 = tpu.memref_squeeze %dma_wait3A_209 : memref<1x512x64xf32, #tpu.memory_space<vmem>> -> memref<512x64xf32, #tpu.memory_space<vmem>>
      %dma_wait3A_211 = arith.constant 0 : i32
      %dma_wait3A_212 = arith.constant 0 : i32
      %dma_wait3A_213 = tpu.memref_slice %dma_wait3A_210[%dma_wait3A_211, %dma_wait3A_212] : memref<512x64xf32, #tpu.memory_space<vmem>> -> memref<128x64xf32, #tpu.memory_space<vmem>>
      %dma_wait3A_214 = arith.constant 0 : i32
      %dma_wait3A_215 = tpu.memref_slice %arg5[%add3A_205, %dma_wait3A_214] : memref<200x128xi32, #tpu.memory_space<vmem>> -> memref<1x128xi32, #tpu.memory_space<vmem>>
      %dma_wait3A_216 = tpu.memref_squeeze %dma_wait3A_215 : memref<1x128xi32, #tpu.memory_space<vmem>> -> memref<128xi32, #tpu.memory_space<vmem>>
      %dma_wait3A_217 = arith.constant 0 : i32
      %dma_wait3A_218 = arith.constant 0 : i32
      %dma_wait3A_219 = tpu.memref_slice %arg3[%dma_wait3A_217, %dma_wait3A_218] : memref<1000000x64xf32, #tpu.memory_space<hbm>> -> memref<1000000x64xf32, #tpu.memory_space<hbm>>
      tpu.wait_indirect_dma semaphore(%arg8 : memref<!tpu.dma_semaphore, #tpu.memory_space<semaphore_mem>>) src(%dma_wait3A_219 : memref<1000000x64xf32, #tpu.memory_space<hbm>>) dst(%dma_wait3A_213 : memref<128x64xf32, #tpu.memory_space<vmem>>)
      %mul3A_220 = arith.constant 4 : i32
      %mul3A_221 = arith.muli %add3A_189, %mul3A_220 : i32
      %add3A_222 = arith.constant 1 : i32
      %add3A_223 = arith.addi %mul3A_221, %add3A_222 : i32
      %dma_wait3A_224 = arith.constant 1 : i32
      %dma_wait3A_225 = arith.constant 0 : i32
      %dma_wait3A_226 = arith.constant 0 : i32
      %dma_wait3A_227 = tpu.memref_slice %arg6[%dma_wait3A_224, %dma_wait3A_225, %dma_wait3A_226] : memref<2x512x64xf32, #tpu.memory_space<vmem>> -> memref<1x512x64xf32, #tpu.memory_space<vmem>>
      %dma_wait3A_228 = tpu.memref_squeeze %dma_wait3A_227 : memref<1x512x64xf32, #tpu.memory_space<vmem>> -> memref<512x64xf32, #tpu.memory_space<vmem>>
      %dma_wait3A_229 = arith.constant 128 : i32
      %dma_wait3A_230 = arith.constant 0 : i32
      %dma_wait3A_231 = tpu.memref_slice %dma_wait3A_228[%dma_wait3A_229, %dma_wait3A_230] : memref<512x64xf32, #tpu.memory_space<vmem>> -> memref<128x64xf32, #tpu.memory_space<vmem>>
      %dma_wait3A_232 = arith.constant 0 : i32
      %dma_wait3A_233 = tpu.memref_slice %arg5[%add3A_223, %dma_wait3A_232] : memref<200x128xi32, #tpu.memory_space<vmem>> -> memref<1x128xi32, #tpu.memory_space<vmem>>
      %dma_wait3A_234 = tpu.memref_squeeze %dma_wait3A_233 : memref<1x128xi32, #tpu.memory_space<vmem>> -> memref<128xi32, #tpu.memory_space<vmem>>
      %dma_wait3A_235 = arith.constant 0 : i32
      %dma_wait3A_236 = arith.constant 0 : i32
      %dma_wait3A_237 = tpu.memref_slice %arg3[%dma_wait3A_235, %dma_wait3A_236] : memref<1000000x64xf32, #tpu.memory_space<hbm>> -> memref<1000000x64xf32, #tpu.memory_space<hbm>>
      tpu.wait_indirect_dma semaphore(%arg8 : memref<!tpu.dma_semaphore, #tpu.memory_space<semaphore_mem>>) src(%dma_wait3A_237 : memref<1000000x64xf32, #tpu.memory_space<hbm>>) dst(%dma_wait3A_231 : memref<128x64xf32, #tpu.memory_space<vmem>>)
      %mul3A_238 = arith.constant 4 : i32
      %mul3A_239 = arith.muli %add3A_189, %mul3A_238 : i32
      %add3A_240 = arith.constant 2 : i32
      %add3A_241 = arith.addi %mul3A_239, %add3A_240 : i32
      %dma_wait3A_242 = arith.constant 1 : i32
      %dma_wait3A_243 = arith.constant 0 : i32
      %dma_wait3A_244 = arith.constant 0 : i32
      %dma_wait3A_245 = tpu.memref_slice %arg6[%dma_wait3A_242, %dma_wait3A_243, %dma_wait3A_244] : memref<2x512x64xf32, #tpu.memory_space<vmem>> -> memref<1x512x64xf32, #tpu.memory_space<vmem>>
      %dma_wait3A_246 = tpu.memref_squeeze %dma_wait3A_245 : memref<1x512x64xf32, #tpu.memory_space<vmem>> -> memref<512x64xf32, #tpu.memory_space<vmem>>
      %dma_wait3A_247 = arith.constant 256 : i32
      %dma_wait3A_248 = arith.constant 0 : i32
      %dma_wait3A_249 = tpu.memref_slice %dma_wait3A_246[%dma_wait3A_247, %dma_wait3A_248] : memref<512x64xf32, #tpu.memory_space<vmem>> -> memref<128x64xf32, #tpu.memory_space<vmem>>
      %dma_wait3A_250 = arith.constant 0 : i32
      %dma_wait3A_251 = tpu.memref_slice %arg5[%add3A_241, %dma_wait3A_250] : memref<200x128xi32, #tpu.memory_space<vmem>> -> memref<1x128xi32, #tpu.memory_space<vmem>>
      %dma_wait3A_252 = tpu.memref_squeeze %dma_wait3A_251 : memref<1x128xi32, #tpu.memory_space<vmem>> -> memref<128xi32, #tpu.memory_space<vmem>>
      %dma_wait3A_253 = arith.constant 0 : i32
      %dma_wait3A_254 = arith.constant 0 : i32
      %dma_wait3A_255 = tpu.memref_slice %arg3[%dma_wait3A_253, %dma_wait3A_254] : memref<1000000x64xf32, #tpu.memory_space<hbm>> -> memref<1000000x64xf32, #tpu.memory_space<hbm>>
      tpu.wait_indirect_dma semaphore(%arg8 : memref<!tpu.dma_semaphore, #tpu.memory_space<semaphore_mem>>) src(%dma_wait3A_255 : memref<1000000x64xf32, #tpu.memory_space<hbm>>) dst(%dma_wait3A_249 : memref<128x64xf32, #tpu.memory_space<vmem>>)
      %mul3A_256 = arith.constant 4 : i32
      %mul3A_257 = arith.muli %add3A_189, %mul3A_256 : i32
      %add3A_258 = arith.constant 3 : i32
      %add3A_259 = arith.addi %mul3A_257, %add3A_258 : i32
      %dma_wait3A_260 = arith.constant 1 : i32
      %dma_wait3A_261 = arith.constant 0 : i32
      %dma_wait3A_262 = arith.constant 0 : i32
      %dma_wait3A_263 = tpu.memref_slice %arg6[%dma_wait3A_260, %dma_wait3A_261, %dma_wait3A_262] : memref<2x512x64xf32, #tpu.memory_space<vmem>> -> memref<1x512x64xf32, #tpu.memory_space<vmem>>
      %dma_wait3A_264 = tpu.memref_squeeze %dma_wait3A_263 : memref<1x512x64xf32, #tpu.memory_space<vmem>> -> memref<512x64xf32, #tpu.memory_space<vmem>>
      %dma_wait3A_265 = arith.constant 384 : i32
      %dma_wait3A_266 = arith.constant 0 : i32
      %dma_wait3A_267 = tpu.memref_slice %dma_wait3A_264[%dma_wait3A_265, %dma_wait3A_266] : memref<512x64xf32, #tpu.memory_space<vmem>> -> memref<128x64xf32, #tpu.memory_space<vmem>>
      %dma_wait3A_268 = arith.constant 0 : i32
      %dma_wait3A_269 = tpu.memref_slice %arg5[%add3A_259, %dma_wait3A_268] : memref<200x128xi32, #tpu.memory_space<vmem>> -> memref<1x128xi32, #tpu.memory_space<vmem>>
      %dma_wait3A_270 = tpu.memref_squeeze %dma_wait3A_269 : memref<1x128xi32, #tpu.memory_space<vmem>> -> memref<128xi32, #tpu.memory_space<vmem>>
      %dma_wait3A_271 = arith.constant 0 : i32
      %dma_wait3A_272 = arith.constant 0 : i32
      %dma_wait3A_273 = tpu.memref_slice %arg3[%dma_wait3A_271, %dma_wait3A_272] : memref<1000000x64xf32, #tpu.memory_space<hbm>> -> memref<1000000x64xf32, #tpu.memory_space<hbm>>
      tpu.wait_indirect_dma semaphore(%arg8 : memref<!tpu.dma_semaphore, #tpu.memory_space<semaphore_mem>>) src(%dma_wait3A_273 : memref<1000000x64xf32, #tpu.memory_space<hbm>>) dst(%dma_wait3A_267 : memref<128x64xf32, #tpu.memory_space<vmem>>)
      %mul3A_274 = arith.constant 128 : i32
      %mul3A_275 = arith.muli %mul3A_2, %mul3A_274 : i32
      %mul3A_276 = arith.constant 512 : i32
      %mul3A_277 = arith.muli %add3A_189, %mul3A_276 : i32
      %add3A_278 = arith.addi %mul3A_275, %mul3A_277 : i32
      %dma_start3A_279 = arith.constant 1 : i32
      %dma_start3A_280 = arith.constant 0 : i32
      %dma_start3A_281 = arith.constant 0 : i32
      %dma_start3A_282 = tpu.memref_slice %arg6[%dma_start3A_279, %dma_start3A_280, %dma_start3A_281] : memref<2x512x64xf32, #tpu.memory_space<vmem>> -> memref<1x512x64xf32, #tpu.memory_space<vmem>>
      %dma_start3A_283 = tpu.memref_squeeze %dma_start3A_282 : memref<1x512x64xf32, #tpu.memory_space<vmem>> -> memref<512x64xf32, #tpu.memory_space<vmem>>
      %dma_start3A_284 = arith.constant 0 : i32
      %dma_start3A_285 = tpu.memref_slice %arg4[%add3A_278, %dma_start3A_284] : memref<819200x64xf32, #tpu.memory_space<hbm>> -> memref<512x64xf32, #tpu.memory_space<hbm>>
      %dma_start3A_286 = arith.constant 0 : i32
      %dma_start3A_287 = tpu.memref_slice %arg4[%add3A_278, %dma_start3A_286] : memref<819200x64xf32, #tpu.memory_space<hbm>> -> memref<512x64xf32, #tpu.memory_space<hbm>>
      %dma_start3A_288 = arith.constant 0 : i32
      %dma_start3A_289 = arith.constant 0 : i32
      %dma_start3A_290 = tpu.memref_slice %arg6[%dma_start3A_279, %dma_start3A_288, %dma_start3A_289] : memref<2x512x64xf32, #tpu.memory_space<vmem>> -> memref<1x512x64xf32, #tpu.memory_space<vmem>>
      %dma_start3A_291 = tpu.memref_squeeze %dma_start3A_290 : memref<1x512x64xf32, #tpu.memory_space<vmem>> -> memref<512x64xf32, #tpu.memory_space<vmem>>
      tpu.enqueue_dma source(%dma_start3A_291 : memref<512x64xf32, #tpu.memory_space<vmem>>) target(%dma_start3A_287 : memref<512x64xf32, #tpu.memory_space<hbm>>) target_semaphore(%arg9 : memref<!tpu.dma_semaphore, #tpu.memory_space<semaphore_mem>>)
    }
    %scan3A_66 = arith.constant 25 : i32
    %mul3A_67 = arith.constant 128 : i32
    %mul3A_68 = arith.muli %mul3A_2, %mul3A_67 : i32
    %add3A_69 = arith.constant 25088 : i32
    %add3A_70 = arith.addi %mul3A_68, %add3A_69 : i32
    %dma_wait3A = arith.constant 1 : i32
    %dma_wait3A_71 = arith.constant 0 : i32
    %dma_wait3A_72 = arith.constant 0 : i32
    %dma_wait3A_73 = tpu.memref_slice %arg6[%dma_wait3A, %dma_wait3A_71, %dma_wait3A_72] : memref<2x512x64xf32, #tpu.memory_space<vmem>> -> memref<1x512x64xf32, #tpu.memory_space<vmem>>
    %dma_wait3A_74 = tpu.memref_squeeze %dma_wait3A_73 : memref<1x512x64xf32, #tpu.memory_space<vmem>> -> memref<512x64xf32, #tpu.memory_space<vmem>>
    %dma_wait3A_75 = arith.constant 0 : i32
    %dma_wait3A_76 = tpu.memref_slice %arg4[%add3A_70, %dma_wait3A_75] : memref<819200x64xf32, #tpu.memory_space<hbm>> -> memref<512x64xf32, #tpu.memory_space<hbm>>
    %dma_wait3A_77 = arith.constant 0 : i32
    %dma_wait3A_78 = tpu.memref_slice %arg4[%add3A_70, %dma_wait3A_77] : memref<819200x64xf32, #tpu.memory_space<hbm>> -> memref<512x64xf32, #tpu.memory_space<hbm>>
    %dma_wait3A_79 = arith.constant 0 : i32
    %dma_wait3A_80 = arith.constant 0 : i32
    %dma_wait3A_81 = tpu.memref_slice %arg6[%dma_wait3A, %dma_wait3A_79, %dma_wait3A_80] : memref<2x512x64xf32, #tpu.memory_space<vmem>> -> memref<1x512x64xf32, #tpu.memory_space<vmem>>
    %dma_wait3A_82 = tpu.memref_squeeze %dma_wait3A_81 : memref<1x512x64xf32, #tpu.memory_space<vmem>> -> memref<512x64xf32, #tpu.memory_space<vmem>>
    tpu.wait_dma2 semaphore(%arg9 : memref<!tpu.dma_semaphore, #tpu.memory_space<semaphore_mem>>) src(%dma_wait3A_82 : memref<512x64xf32, #tpu.memory_space<vmem>>) dst(%dma_wait3A_78 : memref<512x64xf32, #tpu.memory_space<hbm>>)
    return
  }
}

</mosaic_0001>

<sc_bundles>
// kernel: kernel.3.cloned.1.call-start
scs
__scs_entry_jumppad:
0x0: {  	(pc) =	sbr.rel $0x88, $3  }
0x1: {  	(tag) =	ssettag $0x0;
	lr =	simm.s32 $0x1  }
0x2: {  	[smem:$0x3F9F] =	sst lr;
	_ =	strace $0xD0000000  }
0x3: {  	_ = 	snop  }
0x4: {  	_ = 	snop  }
0x5: {  	_ = 	snop  }
0x6: {  	_ = 	snop  }
0x7: {  	_ = 	snop  }
__scs_overlays_trampoline_lowered:
0x8: {  	[smem:$0x3FAE] =	sst s0  }
0x9: {  	[smem:$0x3FAF] =	sst s1  }
0xa: {  	[smem:$0x3FB0] =	sst s2  }
0xb: {  	[smem:$0x3FB1] =	sst s3  }
0xc: {  	[smem:$0x3FB2] =	sst s4  }
0xd: {  	[smem:$0x3FB3] =	sst s5  }
0xe: {  	[smem:$0x3FB4] =	sst s6  }
0xf: {  	[smem:$0x3FB5] =	sst s7  }
0x10: {  	[smem:$0x3FB6] =	sst s8  }
0x11: {  	[smem:$0x3FB7] =	sst s9;
	s0 =	simm.s32 @!p0 $0x0  }
0x12: {  	s1 =	sld [smem:$0x3F9D];
	s0 =	simm.s32 @p0 $0x1  }
0x13: {  	[smem:$0x3FB8] =	sst s0;
	s0 =	simm.s32 @!p1 $0x0  }
0x14: {  	s2 =	sld [smem:$0x3F9C];
	s0 =	simm.s32 @p1 $0x1  }
0x15: {  	[smem:$0x3FB9] =	sst s0;
	s0 =	simm.s32 @!p2 $0x0  }
0x16: {  	s3 =	sld [smem:$0x3FDB];
	s0 =	simm.s32 @p2 $0x1  }
0x17: {  	s4 =	simm.s32 $0x1BF5;
	[smem:$0x3FBB] =	sst s0  }
0x18: {  	s0 =	sld [smem:$0x3F9E];
	_ =	swait.ge [sflag:s4], $0x0  }
0x19: {  	s7 =	sld [smem:$0x3F9F]  }
0x1a: {  	s8 =	sadd.s32 $0xFFFFE003, lr  }
0x1b: {  	s9 =	sadd.s32 $0xFFFFFEF7, lr;
	s5 =	simm.s32 $0xFFFFFFFF;
	p2 =	slt.u32 s8, $0xFFFFF086  }
0x1c: {  	p1 =	slt.u32 s9, $0xF7A;
	s5 =	simm.s32 @!p2 $0x0  }
0x1d: {  	s5 =	simm.s32 @p1 $0x1;
	p0 =	seq.s32 s7, s2  }
0x1e: {  	s7 =	smul.u32 @!p0 $0xF7A, s2;
	p2 =	seq.s32 @!p0 s5, $0x0  }
0x1f: {  	s9 =	smul.u32 $0xF7A, s1;
	s8 =	simm.s32 @!p0 $0x1BF5;
	p2 =	por !p2, p0  }
0x20: {  	[sflag:s8] =	ssyncset.s32 @!p0 $0xFFFFF086;
	s6 =	sadd.s32 @!p0 s3, s7;
	s7 =	simm.s32 @!p0 $0x108  }
0x21: {  	s3 =	sadd.s32 s3, s9;
	s6 =	sadd.s32 @!p0 $0x88, s6;
	s7 =	simm.s32 @p2 $0x1082  }
0x22: {  	[simem:s7], [sflag:s8] =	dma.local @!p0 [hbm:s6], $0xF7A  }
0x23: {  	s9 =	sor.u32 $0xD0000000, s2;
	s6 =	simm.s32 $0x108;
	_ =	swait.ge @!p0 [sflag:s8], $0x0  }
0x24: {  	s3 =	sadd.s32 $0x88, s3;
	s6 =	simm.s32 @!p1 $0x1082;
	[sflag:s4] =	ssyncset.s32 $0xFFFFF086  }
0x25: {  	[simem:s6], [sflag:s4] =	dma.local [hbm:s3], $0xF7A  }
0x26: {  	[smem:$0x3F9F] =	sst s1;
	(tag) =	ssettag s2;
	_ =	strace s9  }
0x27: {  	s1 =	sld [smem:$0x3FAF]  }
0x28: {  	s2 =	sld [smem:$0x3FB0]  }
0x29: {  	s4 =	sld [smem:$0x3FB2]  }
0x2a: {  	p0 =	seq.s32 s5, $0x0;
	s5 =	sld [smem:$0x3FB3]  }
0x2b: {  	s6 =	sld [smem:$0x3FB4]  }
0x2c: {  	s7 =	sld [smem:$0x3FB5]  }
0x2d: {  	s3 =	simm.s32 $0x108;
	s8 =	sld [smem:$0x3FB6]  }
0x2e: {  	s3 =	simm.s32 @!p0 $0x1082;
	s9 =	sld [smem:$0x3FB7]  }
0x2f: {  	lr =	sadd.s32 s0, s3;
	s0 =	sld [smem:$0x3FAE]  }
0x30: {  	s3 =	sld [smem:$0x3FB1]  }
0x31: {  	[smem:$0x3FBA] =	sst s10  }
0x32: {  	s10 =	sld [smem:$0x3FB8];
	_ =	sdelay $0x3  }
0x33: {  	p0 =	seq.s32 s10, $0x1;
	s10 =	sld [smem:$0x3FBA];
	_ =	sdelay $0x3  }
0x34: {  	[smem:$0x3FBA] =	sst s10  }
0x35: {  	s10 =	sld [smem:$0x3FB9];
	_ =	sdelay $0x3  }
0x36: {  	p1 =	seq.s32 s10, $0x1;
	s10 =	sld [smem:$0x3FBA];
	_ =	sdelay $0x3  }
0x37: {  	[smem:$0x3FBA] =	sst s10  }
0x38: {  	s10 =	sld [smem:$0x3FBB]  }
0x39: {  	_ = 	snop;
	(pc) =	sbr.ind lr, $3  }
0x3a: {  	_ = 	snop  }
0x3b: {  	_ = 	snop  }
0x3c: {  	p2 =	seq.s32 s10, $0x1;
	s10 =	sld [smem:$0x3FBA]  }
0x3d: {  	_ =	shalt  }
0x3e: {  	_ =	shalt  }
0x3f: {  	_ =	shalt  }
0x40: {  	_ =	shalt  }
0x41: {  	_ =	shalt  }
0x42: {  	_ =	shalt  }
0x43: {  	_ =	shalt  }
0x44: {  	_ =	shalt  }
0x45: {  	_ =	shalt  }
0x46: {  	_ =	shalt  }
0x47: {  	_ =	shalt  }
0x48: {  	_ =	shalt  }
0x49: {  	_ =	shalt  }
0x4a: {  	_ =	shalt  }
0x4b: {  	_ =	shalt  }
0x4c: {  	_ =	shalt  }
0x4d: {  	_ =	shalt  }
0x4e: {  	_ =	shalt  }
0x4f: {  	_ =	shalt  }
0x50: {  	_ =	shalt  }
0x51: {  	_ =	shalt  }
0x52: {  	_ =	shalt  }
0x53: {  	_ =	shalt  }
0x54: {  	_ =	shalt  }
0x55: {  	_ =	shalt  }
0x56: {  	_ =	shalt  }
0x57: {  	_ =	shalt  }
0x58: {  	_ =	shalt  }
0x59: {  	_ =	shalt  }
0x5a: {  	_ =	shalt  }
0x5b: {  	_ =	shalt  }
0x5c: {  	_ =	shalt  }
0x5d: {  	_ =	shalt  }
0x5e: {  	_ =	shalt  }
0x5f: {  	_ =	shalt  }
0x60: {  	_ =	shalt  }
0x61: {  	_ =	shalt  }
0x62: {  	_ =	shalt  }
0x63: {  	_ =	shalt  }
0x64: {  	_ =	shalt  }
0x65: {  	_ =	shalt  }
0x66: {  	_ =	shalt  }
0x67: {  	_ =	shalt  }
0x68: {  	_ =	shalt  }
0x69: {  	_ =	shalt  }
0x6a: {  	_ =	shalt  }
0x6b: {  	_ =	shalt  }
0x6c: {  	_ =	shalt  }
0x6d: {  	_ =	shalt  }
0x6e: {  	_ =	shalt  }
0x6f: {  	_ =	shalt  }
0x70: {  	_ =	shalt  }
0x71: {  	_ =	shalt  }
0x72: {  	_ =	shalt  }
0x73: {  	_ =	shalt  }
0x74: {  	_ =	shalt  }
0x75: {  	_ =	shalt  }
0x76: {  	_ =	shalt  }
0x77: {  	_ =	shalt  }
0x78: {  	_ =	shalt  }
0x79: {  	_ =	shalt  }
0x7a: {  	_ =	shalt  }
0x7b: {  	_ =	shalt  }
0x7c: {  	_ =	shalt  }
0x7d: {  	_ =	shalt  }
0x7e: {  	_ =	shalt  }
0x7f: {  	_ =	shalt  }
0x80: {  	_ =	shalt  }
0x81: {  	_ =	shalt  }
0x82: {  	_ =	shalt  }
0x83: {  	_ =	shalt  }
0x84: {  	_ =	shalt  }
0x85: {  	_ =	shalt  }
0x86: {  	_ =	shalt  }
0x87: {  	_ =	shalt  }
.Lfunc_end0:
.L_simem_size_0:
called_computation.1_lowered:
.L_overlay_start_0:
0x88: {  	s2 =	sld [smem:$0x3FD9]  }
0x89: {  	s3 =	sld [smem:$0x3FFE];
	_ =	sdelay $0x1  }
0x8a: {  	s1 =	srdreg.scid  }
0x8b: {  	s0 =	sand.u32 $0x1, s1  }
0x8c: {  	s17 =	sshll.u32 s0, $0xA;
	s2 =	sadd.s32 s3, s2  }
0x8d: {  	s2 =	sadd.s32 s2, s17  }
0x8e: {  	[smem:$0x3FC6] =	sst s2  }
0x8f: {  	_ = 	snop  }
0x90: {  	s2 =	sld [smem:$0x3FD0];
	(tm) =	ssettm $0x1  }
0x91: {  	s18 =	sld [smem:$0x3FFB];
	_ =	sdelay $0x3  }
0x92: {  	_ =	strace s18  }
0x93: {  	s3 =	sld [smem:$0x3FFC];
	_ =	sdelay $0x3  }
0x94: {  	_ =	strace s3  }
0x95: {  	s3 =	sld [smem:$0x3FFD];
	_ =	sdelay $0x3  }
0x96: {  	_ =	strace s3  }
0x97: {  	_ =	strace $0x8FFFFFFF  }
0x98: {  	s19 =	sld [smem:$0x3FDB];
	_ =	sdelay $0x1  }
0x99: {  	s4 =	simm.s32 $_scs_section_size  }
0x9a: {  	s5 =	simm.s32 $_size__tile_overlayer_lowered;
	s6 =	simm.s32 $_tile_overlayer_lowered  }
0x9b: {  	s22 =	simm.s32 $0x1BFF;
	s21 =	sshll.u32 s6, $0x1;
	s3 =	sadd.s32 s4, s19  }
0x9c: {  	s7 =	simm.s32 $0x0;
	s20 =	sshll.u32 s5, $0x1;
	s5 =	sadd.s32 s21, s3  }
0x9d: {  	[timem:s7], [sflag:s22] =	dma.local [hbm:s5], s20  }
0x9e: {  	_ =	swait.ge [sflag:s22], s20  }
0x9f: {  	s4 =	ssub.s32 $0x0, s20;
	[sflag:s22] =	ssyncset.done $0x0  }
0xa0: {  	[sflag:s22] =	ssyncadd.s32 s4;
	_ =	sdelay $0x1  }
0xa1: {  	s23 =	simm.s32 $0x1B8B  }
0xa2: {  	_ =	swait.ge [sflag:s23], $0x1  }
0xa3: {  	[sflag:s23] =	ssyncset.done $0x0  }
0xa4: {  	s25 =	simm.s32 $0x1B8E;
	s24 =	sld [smem:$0x3FFE];
	[sflag:s23] =	ssyncadd.s32 $0xFFFFFFFF  }
0xa5: {  	s26 =	simm.s32 $execute0_lowered;
	[smem:$0x3FD2] =	sst s25  }
0xa6: {  	s5 =	sshll.u32 s26, $0x1;
	_ =	strace $0x80000046;
	[dreg:$0x1] =	wrdreg $0xFFFFFFFF  }
0xa7: {  	s28 =	simm.s32 $_size_execute0_lowered;
	s3 =	sadd.s32 s3, s5;
	[dreg:$0x0] =	wrdreg $0x0  }
0xa8: {  	s5 =	sshll.u32 s28, $0x1;
	[dreg:$0x2] =	wrdreg s3  }
0xa9: {  	[dreg:$0x3] =	wrdreg s5  }
0xaa: {  	[dreg:$0x4] =	wrdreg $0xC0  }
0xab: {  	_ =	task [dreg:s7], $0x5FFFF  }
0xac: {  	[dreg:$0x1] =	wrdreg $0xFFFFFFFF  }
0xad: {  	[dreg:$0x0] =	wrdreg $0x60  }
0xae: {  	[dreg:$0x2] =	wrdreg s24  }
0xaf: {  	[dreg:$0x3] =	wrdreg s2  }
0xb0: {  	[dreg:$0x4] =	wrdreg $0x9  }
0xb1: {  	_ =	task.clear_ibuf [dreg:s7], $0x5FFFF;
	_ =	strace $0x90000046  }
0xb2: {  	s29 =	simm.s32 $0x9;
	_ =	strace $0x80000048  }
0xb3: {  	_ =	swait.ge [sflag:s29], $0x1  }
0xb4: {  	[sflag:s29] =	ssyncadd.s32 $0xFFFFFFFF  }
0xb5: {  	_ =	strace $0x90000048  }
0xb6: {  	_ =	sfence  }
0xb7: {  	s30 =	sld [smem:$0x0];
	_ =	sdelay $0x2  }
0xb8: {  	s31 =	sshll.u32 s1, $0xD;
	s1 =	sshrl.u32 s1, $0x2  }
0xb9: {  	s3 =	sand.u32 $0x4000, s31;
	s1 =	sadd.s32 s1, s30  }
0xba: {  	s0 =	sor.u32 s3, s0;
	s1 =	sshll.u32 s1, $0x11  }
0xbb: {  	s0 =	sor.u32 s1, s0  }
0xbc: {  	s0 =	sadd.s32 $0x8F2B, s0  }
0xbd: {  	[sflag:s0] =	ssyncadd.remote.s32 $0x1  }
0xbe: {  	_ =	sfence.sel $0xFFFF  }
0xbf: {  	[dreg:$0x0] =	wrdreg $0xFFFFFFFF;
	(pc) =	sbr.abs _section_cstart, $3  }
0xc0: {  	[dreg:$0x1] =	wrdreg $0xFFFFFFFF  }
0xc1: {  	_ =	task.clear_ibuf [dreg:s7], $0x2FFFF;
	_ =	strace $0x9FFFFFFF  }
0xc2: {  	(tm) =	ssettm $0x7FFFFFFF  }
0xc3: {  	_ =	shalt  }
tec
execute0_lowered:
.L_overlay_start_1:
0x0: {  	(tag) =	ssettag $0x1  }
0x1: {  	s0 =	srdreg.scid  }
0x2: {  	s8 =	stileid.u32;
	s1 =	rddreg [dreg:$0x0]  }
0x3: {  	s2 =	rddreg [dreg:$0x1];
	s13 =	simm.s32 $0x4;
	s14 =	simm.s32 $0x80  }
0x4: {  	s15 =	simm.s32 $0x6400;
	s16 =	simm.s32 $0x8400;
	s18 =	simm.s32 $0xA400  }
0x5: {  	s20 =	simm.s32 $0xC400;
	s22 =	simm.s32 $0xE400;
	s24 =	simm.s32 $0x10400  }
0x6: {  	s29 =	simm.s32 $0x14400;
	s30 =	simm.s32 $0x1;
	s31 =	simm.s32 $0x3  }
0x7: {  	s0 =	sand.u32 $0x1, s0;
	s3 =	sshll.u32 s8, $0x1;
	s8 =	smul.u32 $0x320000, s8  }
0x8: {  	s4 =	sor.u32 s0, s3;
	s7 =	ssub.s32 $0x2, s0;
	s0 =	smul.u32 $0x190000, s0  }
0x9: {  	s21 =	simm.s32 $0x2;
	s3 =	simm.s32 $0x0;
	s5 =	smul.u32 $0xC80, s4  }
0xa: {  	[smem:$0x7FF] =	sst s3;
	s6 =	smul.u32 $0x190000, s4;
	s9 =	sshrl.u32 s7, $0x1  }
0xb: {  	s4 =	sadd.s32 $0xF42E00, s1;
	_ =	strace $0x80000047;
	s26 =	ssub.s32 s7, s9  }
0xc: {  	s0 =	sadd.s32 s0, s8;
	s5 =	sadd.s32 s5, s1;
	s6 =	sshrl.u32 s6, $0x3  }
0xd: {  	s7 =	smax.u32 s26, $0x1;
	s28 =	sadd.s32 $0x18000, s0;
	s11 =	sadd.s32 $0x10000, s0  }
0xe: {  	s26 =	simm.s32 $0x12400;
	s0 =	simm.s32 $0x0;
	s6 =	sadd.s32 s2, s6  }
0xf: {  	s5 =	sadd.s32 $0xA00, s5;
	s1 =	sshrl.u32 s28, $0x3;
	s8 =	sadd.s32 $0x1000, s6  }
0x10: {  	s9 =	sadd.s32 $0x30000, s6;
	s10 =	sadd.s32 $0x31000, s6;
	s25 =	sadd.s32 s1, s2  }
.LBB2_1:
0x11: {  	[tilespmem:s3], [sflag:$0x4] =	stream.linear.gather [hbm4b:s5+s3], $0x6400, $0x38;
	[tilespmem:$0x16400] =	vst v63  }
0x12: {  	_ =	swait.ge [sflag:s13], $0x6400  }
0x13: {  	[sflag:s13] =	ssyncset.done $0x0  }
0x14: {  	[sflag:s13] =	ssyncadd.s32 $0xFFFF9C00  }
0x15: {  	[tilespmem:s15], [sflag:$0x1] =	stream.indirect.gather [hbm4b:s4+s14], $0x40, s3, s14, $0xb8;
	[tilespmem:$0x16400] =	vst v63  }
0x16: {  	_ = 	snop  }
0x17: {  	[tilespmem:s16], [sflag:$0x1] =	stream.indirect.gather [hbm4b:s4+s14], $0x40, s14, s14, $0xb8;
	[tilespmem:$0x16400] =	vst v63  }
0x18: {  	s1 =	simm.s32 $0x100  }
0x19: {  	[tilespmem:s18], [sflag:$0x1] =	stream.indirect.gather [hbm4b:s4+s14], $0x40, s1, s14, $0xb8;
	[tilespmem:$0x16400] =	vst v63  }
0x1a: {  	s23 =	simm.s32 $0x180  }
0x1b: {  	[tilespmem:s20], [sflag:$0x1] =	stream.indirect.gather [hbm4b:s4+s14], $0x40, s23, s14, $0xb8;
	[tilespmem:$0x16400] =	vst v63  }
0x1c: {  	s28 =	simm.s32 $0x200  }
0x1d: {  	[tilespmem:s22], [sflag:$0x2] =	stream.indirect.gather [hbm4b:s4+s14], $0x40, s28, s14, $0xb8;
	[tilespmem:$0x16400] =	vst v63  }
0x1e: {  	s12 =	simm.s32 $0x280  }
0x1f: {  	[tilespmem:s24], [sflag:$0x2] =	stream.indirect.gather [hbm4b:s4+s14], $0x40, s12, s14, $0xb8;
	[tilespmem:$0x16400] =	vst v63  }
0x20: {  	s17 =	simm.s32 $0x300  }
0x21: {  	[tilespmem:s26], [sflag:$0x2] =	stream.indirect.gather [hbm4b:s4+s14], $0x40, s17, s14, $0xb8;
	[tilespmem:$0x16400] =	vst v63  }
0x22: {  	s19 =	simm.s32 $0x380  }
0x23: {  	[tilespmem:s29], [sflag:$0x2] =	stream.indirect.gather [hbm4b:s4+s14], $0x40, s19, s14, $0xb8;
	[tilespmem:$0x16400] =	vst v63  }
0x24: {  	_ =	swait.ge [sflag:s30], $0x2000  }
0x25: {  	[sflag:s30] =	ssyncset.done $0x0  }
0x26: {  	[sflag:s30] =	ssyncadd.s32 $0xFFFFE000  }
0x27: {  	_ =	swait.ge [sflag:s30], $0x2000  }
0x28: {  	[sflag:s30] =	ssyncset.done $0x0  }
0x29: {  	[sflag:s30] =	ssyncadd.s32 $0xFFFFE000  }
0x2a: {  	_ =	swait.ge [sflag:s30], $0x2000  }
0x2b: {  	[sflag:s30] =	ssyncset.done $0x0  }
0x2c: {  	[sflag:s30] =	ssyncadd.s32 $0xFFFFE000  }
0x2d: {  	_ =	swait.ge [sflag:s30], $0x2000  }
0x2e: {  	[sflag:s30] =	ssyncset.done $0x0  }
0x2f: {  	[sflag:s30] =	ssyncadd.s32 $0xFFFFE000  }
0x30: {  	[hbm4b:s6+s3] =	stream.linear.scatter [tilespmem:s15], [sflag:$0x3], $0x8000, $0x38;
	[tilespmem:$0x16400] =	vst v63  }
0x31: {  	_ =	swait.ge [sflag:s31], $0x8000  }
0x32: {  	[sflag:s31] =	ssyncset.done $0x0  }
0x33: {  	s23 =	simm.s32 $0x400;
	[sflag:s31] =	ssyncadd.s32 $0xFFFF8000  }
0x34: {  	[tilespmem:s15], [sflag:$0x1] =	stream.indirect.gather [hbm4b:s4+s14], $0x40, s23, s14, $0xb8;
	[tilespmem:$0x16400] =	vst v63  }
0x35: {  	s28 =	simm.s32 $0x480  }
0x36: {  	[tilespmem:s16], [sflag:$0x1] =	stream.indirect.gather [hbm4b:s4+s14], $0x40, s28, s14, $0xb8;
	[tilespmem:$0x16400] =	vst v63  }
0x37: {  	s12 =	simm.s32 $0x500  }
0x38: {  	[tilespmem:s18], [sflag:$0x1] =	stream.indirect.gather [hbm4b:s4+s14], $0x40, s12, s14, $0xb8;
	[tilespmem:$0x16400] =	vst v63  }
0x39: {  	s17 =	simm.s32 $0x580  }
0x3a: {  	[tilespmem:s20], [sflag:$0x1] =	stream.indirect.gather [hbm4b:s4+s14], $0x40, s17, s14, $0xb8;
	[tilespmem:$0x16400] =	vst v63  }
0x3b: {  	_ =	swait.ge [sflag:s21], $0x2000  }
0x3c: {  	[sflag:s21] =	ssyncset.done $0x0  }
0x3d: {  	[sflag:s21] =	ssyncadd.s32 $0xFFFFE000  }
0x3e: {  	_ =	swait.ge [sflag:s21], $0x2000  }
0x3f: {  	[sflag:s21] =	ssyncset.done $0x0  }
0x40: {  	[sflag:s21] =	ssyncadd.s32 $0xFFFFE000  }
0x41: {  	_ =	swait.ge [sflag:s21], $0x2000  }
0x42: {  	[sflag:s21] =	ssyncset.done $0x0  }
0x43: {  	[sflag:s21] =	ssyncadd.s32 $0xFFFFE000  }
0x44: {  	_ =	swait.ge [sflag:s21], $0x2000  }
0x45: {  	[sflag:s21] =	ssyncset.done $0x0  }
0x46: {  	[sflag:s21] =	ssyncadd.s32 $0xFFFFE000  }
0x47: {  	[hbm4b:s8+s3] =	stream.linear.scatter [tilespmem:s22], [sflag:$0x3], $0x8000, $0x38;
	[tilespmem:$0x16400] =	vst v63  }
0x48: {  	_ =	swait.ge [sflag:s31], $0x8000  }
0x49: {  	[sflag:s31] =	ssyncset.done $0x0  }
0x4a: {  	s12 =	simm.s32 $0x600;
	[sflag:s31] =	ssyncadd.s32 $0xFFFF8000  }
0x4b: {  	[tilespmem:s22], [sflag:$0x2] =	stream.indirect.gather [hbm4b:s4+s14], $0x40, s12, s14, $0xb8;
	[tilespmem:$0x16400] =	vst v63  }
0x4c: {  	s19 =	simm.s32 $0x680  }
0x4d: {  	[tilespmem:s24], [sflag:$0x2] =	stream.indirect.gather [hbm4b:s4+s14], $0x40, s19, s14, $0xb8;
	[tilespmem:$0x16400] =	vst v63  }
0x4e: {  	s23 =	simm.s32 $0x700  }
0x4f: {  	[tilespmem:s26], [sflag:$0x2] =	stream.indirect.gather [hbm4b:s4+s14], $0x40, s23, s14, $0xb8;
	[tilespmem:$0x16400] =	vst v63  }
0x50: {  	s28 =	simm.s32 $0x780  }
0x51: {  	[tilespmem:s29], [sflag:$0x2] =	stream.indirect.gather [hbm4b:s4+s14], $0x40, s28, s14, $0xb8;
	[tilespmem:$0x16400] =	vst v63  }
0x52: {  	_ =	swait.ge [sflag:s30], $0x2000  }
0x53: {  	[sflag:s30] =	ssyncset.done $0x0  }
0x54: {  	[sflag:s30] =	ssyncadd.s32 $0xFFFFE000  }
0x55: {  	_ =	swait.ge [sflag:s30], $0x2000  }
0x56: {  	[sflag:s30] =	ssyncset.done $0x0  }
0x57: {  	[sflag:s30] =	ssyncadd.s32 $0xFFFFE000  }
0x58: {  	_ =	swait.ge [sflag:s30], $0x2000  }
0x59: {  	[sflag:s30] =	ssyncset.done $0x0  }
0x5a: {  	[sflag:s30] =	ssyncadd.s32 $0xFFFFE000  }
0x5b: {  	_ =	swait.ge [sflag:s30], $0x2000  }
0x5c: {  	s1 =	sshrl.u32 s11, $0x3;
	[sflag:s30] =	ssyncset.done $0x0  }
0x5d: {  	s12 =	sadd.s32 s2, s1;
	[sflag:s30] =	ssyncadd.s32 $0xFFFFE000  }
0x5e: {  	[hbm4b:s12+s3] =	stream.linear.scatter [tilespmem:s15], [sflag:$0x3], $0x8000, $0x38;
	[tilespmem:$0x16400] =	vst v63  }
0x5f: {  	_ =	swait.ge [sflag:s31], $0x8000  }
0x60: {  	[sflag:s31] =	ssyncset.done $0x0  }
0x61: {  	s17 =	simm.s32 $0x800;
	[sflag:s31] =	ssyncadd.s32 $0xFFFF8000  }
0x62: {  	[tilespmem:s15], [sflag:$0x1] =	stream.indirect.gather [hbm4b:s4+s14], $0x40, s17, s14, $0xb8;
	[tilespmem:$0x16400] =	vst v63  }
0x63: {  	s19 =	simm.s32 $0x880  }
0x64: {  	[tilespmem:s16], [sflag:$0x1] =	stream.indirect.gather [hbm4b:s4+s14], $0x40, s19, s14, $0xb8;
	[tilespmem:$0x16400] =	vst v63  }
0x65: {  	s23 =	simm.s32 $0x900  }
0x66: {  	[tilespmem:s18], [sflag:$0x1] =	stream.indirect.gather [hbm4b:s4+s14], $0x40, s23, s14, $0xb8;
	[tilespmem:$0x16400] =	vst v63  }
0x67: {  	s28 =	simm.s32 $0x980  }
0x68: {  	[tilespmem:s20], [sflag:$0x1] =	stream.indirect.gather [hbm4b:s4+s14], $0x40, s28, s14, $0xb8;
	[tilespmem:$0x16400] =	vst v63  }
0x69: {  	_ =	swait.ge [sflag:s21], $0x2000  }
0x6a: {  	[sflag:s21] =	ssyncset.done $0x0  }
0x6b: {  	[sflag:s21] =	ssyncadd.s32 $0xFFFFE000  }
0x6c: {  	_ =	swait.ge [sflag:s21], $0x2000  }
0x6d: {  	[sflag:s21] =	ssyncset.done $0x0  }
0x6e: {  	[sflag:s21] =	ssyncadd.s32 $0xFFFFE000  }
0x6f: {  	_ =	swait.ge [sflag:s21], $0x2000  }
0x70: {  	[sflag:s21] =	ssyncset.done $0x0  }
0x71: {  	[sflag:s21] =	ssyncadd.s32 $0xFFFFE000  }
0x72: {  	_ =	swait.ge [sflag:s21], $0x2000  }
0x73: {  	s12 =	smov.u32 s25;
	s17 =	simm.s32 $0x1000;
	[sflag:s21] =	ssyncset.done $0x0  }
0x74: {  	s19 =	sadd.s32 $0x10000, s11;
	s23 =	sadd.s32 $0x2000, s25;
	[sflag:s21] =	ssyncadd.s32 $0xFFFFE000  }
.LBB2_2:
0x75: {  	[hbm4b:s12+s3] =	stream.linear.scatter [tilespmem:s22], [sflag:$0x3], $0x8000, $0x38;
	[tilespmem:$0x16400] =	vst v63  }
0x76: {  	s28 =	smov.u32 s17;
	s12 =	smov.u32 s23  }
0x77: {  	p0 =	sne.s32 s17, $0x16000;
	s17 =	sadd.s32 $0x1000, s17;
	_ =	swait.ge [sflag:s31], $0x8000  }
0x78: {  	s28 =	sshra.s32 s28, $0x2;
	[sflag:s31] =	ssyncset.done $0x0  }
0x79: {  	s1 =	sadd.s32 $0x600, s28;
	[sflag:s31] =	ssyncadd.s32 $0xFFFF8000  }
0x7a: {  	[tilespmem:s22], [sflag:$0x2] =	stream.indirect.gather [hbm4b:s4+s14], $0x40, s1, s14, $0xb8;
	[tilespmem:$0x16400] =	vst v63  }
0x7b: {  	s1 =	sadd.s32 $0x680, s28  }
0x7c: {  	[tilespmem:s24], [sflag:$0x2] =	stream.indirect.gather [hbm4b:s4+s14], $0x40, s1, s14, $0xb8;
	[tilespmem:$0x16400] =	vst v63  }
0x7d: {  	s1 =	sadd.s32 $0x700, s28  }
0x7e: {  	[tilespmem:s26], [sflag:$0x2] =	stream.indirect.gather [hbm4b:s4+s14], $0x40, s1, s14, $0xb8;
	[tilespmem:$0x16400] =	vst v63  }
0x7f: {  	s1 =	sadd.s32 $0x780, s28  }
0x80: {  	[tilespmem:s29], [sflag:$0x2] =	stream.indirect.gather [hbm4b:s4+s14], $0x40, s1, s14, $0xb8;
	[tilespmem:$0x16400] =	vst v63  }
0x81: {  	_ =	swait.ge [sflag:s30], $0x2000  }
0x82: {  	[sflag:s30] =	ssyncset.done $0x0  }
0x83: {  	[sflag:s30] =	ssyncadd.s32 $0xFFFFE000  }
0x84: {  	_ =	swait.ge [sflag:s30], $0x2000  }
0x85: {  	[sflag:s30] =	ssyncset.done $0x0  }
0x86: {  	[sflag:s30] =	ssyncadd.s32 $0xFFFFE000  }
0x87: {  	_ =	swait.ge [sflag:s30], $0x2000  }
0x88: {  	[sflag:s30] =	ssyncset.done $0x0  }
0x89: {  	[sflag:s30] =	ssyncadd.s32 $0xFFFFE000  }
0x8a: {  	_ =	swait.ge [sflag:s30], $0x2000  }
0x8b: {  	s1 =	sshrl.u32 s19, $0x3;
	[sflag:s30] =	ssyncset.done $0x0  }
0x8c: {  	s1 =	sadd.s32 s2, s1;
	[sflag:s30] =	ssyncadd.s32 $0xFFFFE000  }
0x8d: {  	[hbm4b:s1+s3] =	stream.linear.scatter [tilespmem:s15], [sflag:$0x3], $0x8000, $0x38;
	[tilespmem:$0x16400] =	vst v63  }
0x8e: {  	_ =	swait.ge [sflag:s31], $0x8000  }
0x8f: {  	[sflag:s31] =	ssyncset.done $0x0  }
0x90: {  	s1 =	sadd.s32 $0x800, s28;
	[sflag:s31] =	ssyncadd.s32 $0xFFFF8000  }
0x91: {  	[tilespmem:s15], [sflag:$0x1] =	stream.indirect.gather [hbm4b:s4+s14], $0x40, s1, s14, $0xb8;
	[tilespmem:$0x16400] =	vst v63  }
0x92: {  	s1 =	sadd.s32 $0x880, s28  }
0x93: {  	[tilespmem:s16], [sflag:$0x1] =	stream.indirect.gather [hbm4b:s4+s14], $0x40, s1, s14, $0xb8;
	[tilespmem:$0x16400] =	vst v63  }
0x94: {  	s1 =	sadd.s32 $0x900, s28  }
0x95: {  	[tilespmem:s18], [sflag:$0x1] =	stream.indirect.gather [hbm4b:s4+s14], $0x40, s1, s14, $0xb8;
	[tilespmem:$0x16400] =	vst v63  }
0x96: {  	s1 =	sadd.s32 $0x980, s28  }
0x97: {  	[tilespmem:s20], [sflag:$0x1] =	stream.indirect.gather [hbm4b:s4+s14], $0x40, s1, s14, $0xb8;
	[tilespmem:$0x16400] =	vst v63  }
0x98: {  	_ =	swait.ge [sflag:s21], $0x2000  }
0x99: {  	[sflag:s21] =	ssyncset.done $0x0  }
0x9a: {  	[sflag:s21] =	ssyncadd.s32 $0xFFFFE000  }
0x9b: {  	_ =	swait.ge [sflag:s21], $0x2000  }
0x9c: {  	[sflag:s21] =	ssyncset.done $0x0  }
0x9d: {  	[sflag:s21] =	ssyncadd.s32 $0xFFFFE000  }
0x9e: {  	_ =	swait.ge [sflag:s21], $0x2000  }
.Ltmp0:
0x9f: {  	[sflag:s21] =	ssyncset.done $0x0;
	(pc) =	sbr.rel @p0 .LBB2_2-.Ltmp0, $4  }
0xa0: {  	[sflag:s21] =	ssyncadd.s32 $0xFFFFE000  }
0xa1: {  	_ =	swait.ge [sflag:s21], $0x2000  }
0xa2: {  	[sflag:s21] =	ssyncset.done $0x0  }
0xa3: {  	s23 =	sadd.s32 $0x2000, s23;
	s19 =	sadd.s32 $0x10000, s19;
	[sflag:s21] =	ssyncadd.s32 $0xFFFFE000  }
0xa4: {  	[hbm4b:s12+s3] =	stream.linear.scatter [tilespmem:s22], [sflag:$0x3], $0x8000, $0x38;
	[tilespmem:$0x16400] =	vst v63  }
0xa5: {  	_ =	swait.ge [sflag:s31], $0x8000  }
0xa6: {  	[sflag:s31] =	ssyncset.done $0x0  }
0xa7: {  	s1 =	simm.s32 $0x6200;
	[sflag:s31] =	ssyncadd.s32 $0xFFFF8000  }
0xa8: {  	[tilespmem:s22], [sflag:$0x2] =	stream.indirect.gather [hbm4b:s4+s14], $0x40, s1, s14, $0xb8;
	[tilespmem:$0x16400] =	vst v63  }
0xa9: {  	s19 =	simm.s32 $0x6280  }
0xaa: {  	[tilespmem:s24], [sflag:$0x2] =	stream.indirect.gather [hbm4b:s4+s14], $0x40, s19, s14, $0xb8;
	[tilespmem:$0x16400] =	vst v63  }
0xab: {  	s23 =	simm.s32 $0x6300  }
0xac: {  	[tilespmem:s26], [sflag:$0x2] =	stream.indirect.gather [hbm4b:s4+s14], $0x40, s23, s14, $0xb8;
	[tilespmem:$0x16400] =	vst v63  }
0xad: {  	s28 =	simm.s32 $0x6380  }
0xae: {  	[tilespmem:s29], [sflag:$0x2] =	stream.indirect.gather [hbm4b:s4+s14], $0x40, s28, s14, $0xb8;
	[tilespmem:$0x16400] =	vst v63  }
0xaf: {  	_ =	swait.ge [sflag:s30], $0x2000  }
0xb0: {  	[sflag:s30] =	ssyncset.done $0x0  }
0xb1: {  	[sflag:s30] =	ssyncadd.s32 $0xFFFFE000  }
0xb2: {  	_ =	swait.ge [sflag:s30], $0x2000  }
0xb3: {  	[sflag:s30] =	ssyncset.done $0x0  }
0xb4: {  	[sflag:s30] =	ssyncadd.s32 $0xFFFFE000  }
0xb5: {  	_ =	swait.ge [sflag:s30], $0x2000  }
0xb6: {  	[sflag:s30] =	ssyncset.done $0x0  }
0xb7: {  	[sflag:s30] =	ssyncadd.s32 $0xFFFFE000  }
0xb8: {  	_ =	swait.ge [sflag:s30], $0x2000  }
0xb9: {  	[sflag:s30] =	ssyncset.done $0x0  }
0xba: {  	[sflag:s30] =	ssyncadd.s32 $0xFFFFE000  }
0xbb: {  	[hbm4b:s9+s3] =	stream.linear.scatter [tilespmem:s15], [sflag:$0x3], $0x8000, $0x38;
	[tilespmem:$0x16400] =	vst v63  }
0xbc: {  	_ =	swait.ge [sflag:s31], $0x8000  }
0xbd: {  	[sflag:s31] =	ssyncset.done $0x0  }
0xbe: {  	[sflag:s31] =	ssyncadd.s32 $0xFFFF8000  }
0xbf: {  	_ =	swait.ge [sflag:s21], $0x2000  }
0xc0: {  	[sflag:s21] =	ssyncset.done $0x0  }
0xc1: {  	[sflag:s21] =	ssyncadd.s32 $0xFFFFE000  }
0xc2: {  	_ =	swait.ge [sflag:s21], $0x2000  }
0xc3: {  	[sflag:s21] =	ssyncset.done $0x0  }
0xc4: {  	[sflag:s21] =	ssyncadd.s32 $0xFFFFE000  }
0xc5: {  	_ =	swait.ge [sflag:s21], $0x2000  }
0xc6: {  	[sflag:s21] =	ssyncset.done $0x0  }
0xc7: {  	[sflag:s21] =	ssyncadd.s32 $0xFFFFE000  }
0xc8: {  	s0 =	sadd.s32 $0x1, s0;
	_ =	swait.ge [sflag:s21], $0x2000  }
0xc9: {  	p0 =	sne.s32 s0, s7;
	[sflag:s21] =	ssyncset.done $0x0  }
.Ltmp1:
0xca: {  	[sflag:s21] =	ssyncadd.s32 $0xFFFFE000;
	(pc) =	sbr.rel @p0 .LBB2_1-.Ltmp1, $4  }
0xcb: {  	[hbm4b:s10+s3] =	stream.linear.scatter [tilespmem:s22], [sflag:$0x3], $0x8000, $0x38;
	[tilespmem:$0x16400] =	vst v63  }
0xcc: {  	_ =	swait.ge [sflag:s31], $0x8000  }
0xcd: {  	[sflag:s31] =	ssyncset.done $0x0  }
0xce: {  	[sflag:s31] =	ssyncadd.s32 $0xFFFF8000  }
0xcf: {  	_ =	sfence.sel $0x180000  }
0xd0: {  	[bflag:$0x0] =	sbarrier.arrive $0xFFFF  }
0xd1: {  	_ =	strace $0x90000047  }
0xd2: {  	s0 =	stileid.u32;
	[bflag:$0x2] =	sbarrier.arrive $0xFFFF  }
0xd3: {  	p0 =	sne.s32 s0, $0x0;
	s0 =	rddreg [dreg:$0x2]  }
0xd4: {  	s0 =	sadd.s32 @!p0 $0x100000, s0  }
0xd5: {  	[sflag:s0] =	ssyncadd.tile.s32 @!p0 $0x1;
	_ =	shalt  }
.Lfunc_end2:
_tile_overlayer_lowered:
.L_overlay_start_2:
0xd6: {  	(tag) =	ssettag $0x2  }
0xd7: {  	s0 =	rddreg [dreg:$0x0];
	s2 =	stileid.u32  }
0xd8: {  	s1 =	rddreg [dreg:$0x1];
	p0 =	sne.s32 s2, $0x0  }
0xd9: {  	s3 =	rddreg [dreg:$0x2];
	[bflag:$0x3] =	sbarrier.arrive $0xFFFF;
	s2 =	simm.s32 @!p0 $0x1C04  }
0xda: {  	[timem:s3], [sflag:s2] =	dma.local @!p0 [hbm:s0], s1  }
0xdb: {  	s0 =	simm.s32 @!p0 $0x4  }
0xdc: {  	_ =	swait.ge @!p0 [sflag:s0], s1  }
0xdd: {  	s1 =	ssub.s32 @!p0 $0x0, s1;
	[sflag:s0] =	ssyncset.done @!p0 $0x0  }
0xde: {  	[sflag:s0] =	ssyncadd.s32 @!p0 s1  }
0xdf: {  	[bflag:$0x3] =	sbarrier.arrive $0xFFFF  }
0xe0: {  	_ =	shalt  }

// kernel: sparse-core-data-format-call.cloned.1.call-start
scs
called_computation_lowered:
.L_overlay_start_0:
0x0: {  	s2 =	sld [smem:$0x3FD9]  }
0x1: {  	s3 =	sld [smem:$0x3FFE];
	_ =	sdelay $0x1  }
0x2: {  	s1 =	srdreg.scid  }
0x3: {  	s0 =	sand.u32 $0x1, s1  }
0x4: {  	s18 =	sshll.u32 s0, $0xA;
	s2 =	sadd.s32 s3, s2  }
0x5: {  	s2 =	sadd.s32 s2, s18  }
0x6: {  	[smem:$0x3FC6] =	sst s2  }
0x7: {  	_ = 	snop  }
0x8: {  	s2 =	sld [smem:$0x3FD0];
	(tm) =	ssettm $0x1  }
0x9: {  	s19 =	sld [smem:$0x3FFB];
	_ =	sdelay $0x3  }
0xa: {  	_ =	strace s19  }
0xb: {  	s3 =	sld [smem:$0x3FFC];
	_ =	sdelay $0x3  }
0xc: {  	_ =	strace s3  }
0xd: {  	s3 =	sld [smem:$0x3FFD];
	_ =	sdelay $0x3  }
0xe: {  	_ =	strace s3  }
0xf: {  	_ =	strace $0x8FFFFFFF  }
0x10: {  	s20 =	sld [smem:$0x3FDB];
	_ =	sdelay $0x1  }
0x11: {  	s4 =	simm.s32 $_scs_section_size  }
0x12: {  	s5 =	simm.s32 $_size__tile_overlayer_lowered;
	s6 =	simm.s32 $_tile_overlayer_lowered  }
0x13: {  	s23 =	simm.s32 $0x1BFF;
	s22 =	sshll.u32 s6, $0x1;
	s3 =	sadd.s32 s4, s20  }
0x14: {  	s7 =	simm.s32 $0x0;
	s21 =	sshll.u32 s5, $0x1;
	s5 =	sadd.s32 s22, s3  }
0x15: {  	[timem:s7], [sflag:s23] =	dma.local [hbm:s5], s21  }
0x16: {  	_ =	swait.ge [sflag:s23], s21  }
0x17: {  	s4 =	ssub.s32 $0x0, s21;
	[sflag:s23] =	ssyncset.done $0x0  }
0x18: {  	[sflag:s23] =	ssyncadd.s32 s4;
	_ =	sdelay $0x1  }
0x19: {  	s24 =	simm.s32 $0x1B8B  }
0x1a: {  	_ =	swait.ge [sflag:s24], $0x1  }
0x1b: {  	[sflag:s24] =	ssyncset.done $0x0  }
0x1c: {  	s26 =	simm.s32 $0x1B8E;
	s25 =	sld [smem:$0x3FFE];
	[sflag:s24] =	ssyncadd.s32 $0xFFFFFFFF  }
0x1d: {  	s27 =	simm.s32 $execute0_lowered;
	[smem:$0x3FD2] =	sst s26  }
0x1e: {  	s5 =	sshll.u32 s27, $0x1;
	_ =	strace $0x80000049;
	[dreg:$0x1] =	wrdreg $0xFFFFFFFF  }
0x1f: {  	s28 =	simm.s32 $_size_execute0_lowered;
	s3 =	sadd.s32 s3, s5;
	[dreg:$0x0] =	wrdreg $0x0  }
0x20: {  	s5 =	sshll.u32 s28, $0x1;
	[dreg:$0x2] =	wrdreg s3  }
0x21: {  	[dreg:$0x3] =	wrdreg s5  }
0x22: {  	[dreg:$0x4] =	wrdreg $0xC0  }
0x23: {  	_ =	task [dreg:s7], $0x5FFFF  }
0x24: {  	[dreg:$0x1] =	wrdreg $0xFFFFFFFF  }
0x25: {  	[dreg:$0x0] =	wrdreg $0x60  }
0x26: {  	[dreg:$0x2] =	wrdreg s25  }
0x27: {  	[dreg:$0x3] =	wrdreg s2  }
0x28: {  	[dreg:$0x4] =	wrdreg $0x9  }
0x29: {  	_ =	task.clear_ibuf [dreg:s7], $0x5FFFF;
	_ =	strace $0x90000049  }
0x2a: {  	s29 =	simm.s32 $0x9;
	_ =	strace $0x8000004B  }
0x2b: {  	_ =	swait.ge [sflag:s29], $0x1  }
0x2c: {  	[sflag:s29] =	ssyncadd.s32 $0xFFFFFFFF  }
0x2d: {  	_ =	strace $0x9000004B  }
0x2e: {  	_ =	sfence  }
0x2f: {  	s30 =	sld [smem:$0x0];
	_ =	sdelay $0x2  }
0x30: {  	s31 =	sshll.u32 s1, $0xD;
	s1 =	sshrl.u32 s1, $0x2  }
0x31: {  	s3 =	sand.u32 $0x4000, s31;
	s1 =	sadd.s32 s1, s30  }
0x32: {  	s0 =	sor.u32 s3, s0;
	s1 =	sshll.u32 s1, $0x11  }
0x33: {  	s0 =	sor.u32 s1, s0  }
0x34: {  	s0 =	sadd.s32 $0x8F2B, s0  }
0x35: {  	[sflag:s0] =	ssyncadd.remote.s32 $0x1  }
0x36: {  	_ =	sfence.sel $0xFFFF  }
0x37: {  	[dreg:$0x0] =	wrdreg $0xFFFFFFFF;
	(pc) =	sbr.abs _section_cstart, $3  }
0x38: {  	[dreg:$0x1] =	wrdreg $0xFFFFFFFF  }
0x39: {  	_ =	task.clear_ibuf [dreg:s7], $0x2FFFF;
	_ =	strace $0x9FFFFFFF  }
0x3a: {  	(tm) =	ssettm $0x7FFFFFFF  }
0x3b: {  	_ =	shalt  }
tec
execute0_lowered:
.L_overlay_start_1:
0x0: {  	(tag) =	ssettag $0x1  }
0x1: {  	s0 =	srdreg.scid  }
0x2: {  	s1 =	sshll.u32 s0, $0x4  }
0x3: {  	s0 =	stileid.u32;
	s1 =	sand.u32 $0x10, s1  }
0x4: {  	s1 =	sor.u32 s0, s1  }
0x5: {  	s6 =	rddreg [dreg:$0x0];
	s4 =	simm.s32 $0x1;
	s2 =	sshll.u32 s1, $0x7  }
0x6: {  	s7 =	simm.s32 $0x2;
	s12 =	simm.s32 $0x0;
	s1 =	ssub.s32 $0x1000, s2  }
0x7: {  	s8 =	simm.s32 $0x8000;
	s13 =	simm.s32 $0x0;
	s3 =	sand.u32 $0xF80, s1  }
0x8: {  	s9 =	simm.s32 $0x0;
	s5 =	sshrl.u32 s1, $0xC;
	p0 =	sne.s32 s3, $0x0  }
.Ltmp0:
0x9: {  	s1 =	rddreg [dreg:$0x2];
	s4 =	simm.s32 @!p0 $0x0;
	(pc) =	sbr.rel .LBB1_1-.Ltmp0, $4  }
0xa: {  	s11 =	simm.s32 $0x0;
	s3 =	rddreg [dreg:$0x1];
	s5 =	sadd.s32 s4, s5  }
0xb: {  	_ =	strace $0x8000004A;
	s4 =	simm.s32 $0x1;
	s5 =	smul.u32 $0xC8, s5  }
0xc: {  	s6 =	sadd.s32 $0xA00, s6;
	s10 =	smov.u32 s2;
	[sflag:s4] =	ssyncpa.u1 $0x0  }
0xd: {  	p0 =	por $0x0, $0x0;
	[sflag:s7] =	ssyncpa.u1 $0x0;
	s7 =	sor.u32 $0x1, s5  }
.LBB1_4:
0xe: {  	s16 =	sshll.u32 s13, $0x3;
	s17 =	sand.u32 $0x78, s13  }
0xf: {  	s30 =	sand.u32 $0x7E00, s13;
	s12 =	sshll.u32 s12, $0xF;
	s16 =	sand.u32 $0xC00, s16  }
0x10: {  	[tilespmem:s15+$0x810 ss:$0x81] =	vst.msk $0xffff, v2;
	s31 =	sand.u32 $0x7, s13;
	s16 =	sor.u32 s17, s16;
	s17 =	sadd.s32 s3, s30  }
0x11: {  	[tilespmem:s15+$0x1020 ss:$0x81] =	vst.msk $0xffff, v0;
	s13 =	sshll.u32 s31, $0x12;
	s12 =	sadd.s32 s12, s17;
	s16 =	sshrl.u32 s16, $0x3  }
0x12: {  	[tilespmem:s15+$0x0 ss:$0x81] =	vst.msk $0xffff, v1;
	s13 =	sor.u32 $0x400, s13;
	s12 =	sadd.s32 s16, s12  }
0x13: {  	[hbm4b:s12+s13] =	stream.strided.scatter [tilespmem:s14], [sflag:$0x2], $0x2000, s8, s13, $0x20;
	[tilespmem:$0x8080] =	vst v63  }
.LBB1_5:
0x14: {  	s14 =	sadd.s32 $0x1, s9  }
0x15: {  	s12 =	sadd.s32 $0x1000, s10;
	s16 =	smov.u32 s10;
	p2 =	sgt.s32 s14, $0xC7  }
0x16: {  	s16 =	smov.u32 @p2 s12  }
0x17: {  	s14 =	simm.s32 @p2 $0x0;
	p2 =	sgt.s32 s16, $0xFFF  }
0x18: {  	s16 =	smov.u32 @p2 s2;
	p2 =	sne.s32 s11, s7  }
.Ltmp1:
0x19: {  	p1 =	slt.u32 s11, $0x2;
	(pc) =	sbr.rel @!p2 .LBB1_6-.Ltmp1, $4  }
0x1a: {  	s15 =	simm.s32 @!p1 $0x2  }
0x1b: {  	s13 =	smov.u32 s10;
	p0 =	por !p0, !p0;
	_ =	swait.ge @!p1 [sflag:s15], $0x2000  }
0x1c: {  	s12 =	smov.u32 s9;
	[sflag:s15] =	ssyncset.done @!p1 $0x0;
	s9 =	smov.u32 s14  }
0x1d: {  	s11 =	sadd.s32 $0x1, s11;
	[sflag:s15] =	ssyncadd.s32 @!p1 $0xFFFFE000;
	s10 =	smov.u32 s16  }
.LBB1_1:
0x1e: {  	p1 =	sge.u32 s11, s5  }
0x1f: {  	s14 =	sand.u32 @!p1 $0x1FFFFFF, s9  }
0x20: {  	s15 =	smulhi.u32 @!p1 $0x147AE15, s14;
	_ =	sdelay $0x1  }
0x21: {  	s15 =	smul.u32 @!p1 $0xC8, s15  }
0x22: {  	s16 =	sxor.u32 @!p1 $0xFFFFFFFF, s11;
	s17 =	smul.u32 @!p1 $0xC80, s10  }
0x23: {  	s31 =	sadd.s32 $0xFFFFFFFF, s11;
	s16 =	sshll.u32 @!p1 s16, $0xD;
	s14 =	ssub.s32 @!p1 s14, s15  }
0x24: {  	s15 =	sand.u32 @!p1 $0x2000, s16;
	s16 =	sadd.s32 @!p1 s6, s17;
	s14 =	sshll.u32 @!p1 s14, $0x4  }
0x25: {  	s17 =	simm.s32 @!p1 $0x6400;
	s14 =	sadd.s32 @!p1 s14, s16;
	s16 =	simm.s32 @!p1 $0x40  }
0x26: {  	[tilespmem:s15], [sflag:$0x1] =	stream.strided.gather @!p1 [hbm4b:s14+s16], $0x2000, s17, s16, $0x38;
	[tilespmem:$0x8080] =	vst v63  }
0x27: {  	p1 =	sge.u32 s31, s5  }
.Ltmp2:
0x28: {  	_ = 	snop;
	(pc) =	sbr.rel @p1 .LBB1_5-.Ltmp2, $1  }
0x29: {  	_ =	sdelay $0x3  }
0x2a: {  	s14 =	simm.s32 $0x1  }
0x2b: {  	_ =	swait.ge [sflag:s4], $0x2000;
	s14 =	simm.s32 @!p0 $0x0  }
0x2c: {  	[sflag:s4] =	ssyncset.done $0x0;
	s15 =	sshll.u32 s14, $0xD  }
0x2d: {  	[sflag:s4] =	ssyncadd.s32 $0xFFFFE000;
	s18 =	sor.u32 $0x20, s15  }
0x2e: {  	s14 =	smul.u32 $0x8100, s14;
	v3 =	vld [tilespmem:s18+$0x10]  }
0x2f: {  	s30 =	sand.u32 $0x1, s11;
	v2 =	vld [tilespmem:s18+$0xFFFFFFF0]  }
0x30: {  	s15 =	smul.u32 $0x8100, s30;
	s14 =	sshrl.u32 s14, $0x2;
	v0 =	vld [tilespmem:s18+$0x0]  }
0x31: {  	v1 =	vld [tilespmem:s18+$0xFFFFFFE0];
	s16 =	sor.u32 $0x4000, s14  }
0x32: {  	s31 =	sshrl.u32 s15, $0x2;
	s15 =	sadd.s32 $0x0, s16  }
0x33: {  	s17 =	simm.s32 $0x4;
	s18 =	sadd.s32 $0x40, s18;
	s14 =	sor.u32 $0x4000, s31;
	[tilespmem:s15+$0x1830 ss:$0x81] =	vst.msk $0xffff, v3  }
.LBB1_3:
0x34: {  	v3 =	vld [tilespmem:s18+$0x10];
	p1 =	sne.s32 s17, $0x1FC;
	[tilespmem:s15+$0x810 ss:$0x81] =	vst.msk $0xffff, v2;
	s19 =	smov.u32 s17;
	s17 =	sadd.s32 $0x4, s17  }
.Ltmp3:
0x35: {  	v2 =	vld [tilespmem:s18+$0xFFFFFFF0];
	[tilespmem:s15+$0x1020 ss:$0x81] =	vst.msk $0xffff, v0;
	(pc) =	sbr.rel @p1 .LBB1_3-.Ltmp3, $4  }
0x36: {  	v0 =	vld [tilespmem:s18+$0x0];
	[tilespmem:s15+$0x0 ss:$0x81] =	vst.msk $0xffff, v1  }
0x37: {  	s15 =	sshra.s32 s19, $0x2;
	v1 =	vld [tilespmem:s18+$0xFFFFFFE0]  }
0x38: {  	s15 =	sadd.s32 s15, s16  }
0x39: {  	s18 =	sadd.s32 $0x40, s18;
	[tilespmem:s15+$0x1830 ss:$0x81] =	vst.msk $0xffff, v3  }
.Ltmp4:
0x3a: {  	_ = 	snop;
	(pc) =	sbr.rel .LBB1_4-.Ltmp4, $1  }
0x3b: {  	_ =	sdelay $0x3  }
.LBB1_6:
0x3c: {  	_ =	sfence.sel $0x180000  }
0x3d: {  	s2 =	simm.s32 $0x1;
	[bflag:$0x0] =	sbarrier.arrive $0xFFFF  }
0x3e: {  	s31 =	simm.s32 $0x2;
	[sflag:s2] =	ssyncpa.u1 $0x1  }
0x3f: {  	[sflag:s31] =	ssyncpa.u1 $0x1  }
0x40: {  	p0 =	sne.s32 s0, $0x0;
	_ =	strace $0x9000004A  }
0x41: {  	s0 =	sadd.s32 @!p0 $0x100000, s1;
	[bflag:$0x2] =	sbarrier.arrive $0xFFFF  }
0x42: {  	[sflag:s0] =	ssyncadd.tile.s32 @!p0 $0x1;
	_ =	shalt  }
.Lfunc_end1:
_tile_overlayer_lowered:
.L_overlay_start_2:
0x43: {  	(tag) =	ssettag $0x2  }
0x44: {  	s0 =	rddreg [dreg:$0x0];
	s2 =	stileid.u32  }
0x45: {  	s1 =	rddreg [dreg:$0x1];
	p0 =	sne.s32 s2, $0x0  }
0x46: {  	s3 =	rddreg [dreg:$0x2];
	[bflag:$0x3] =	sbarrier.arrive $0xFFFF;
	s2 =	simm.s32 @!p0 $0x1C01  }
0x47: {  	[timem:s3], [sflag:s2] =	dma.local @!p0 [hbm:s0], s1  }
0x48: {  	s0 =	simm.s32 @!p0 $0x1  }
0x49: {  	_ =	swait.ge @!p0 [sflag:s0], s1  }
0x4a: {  	s1 =	ssub.s32 @!p0 $0x0, s1;
	[sflag:s0] =	ssyncset.done @!p0 $0x0  }
0x4b: {  	[sflag:s0] =	ssyncadd.s32 @!p0 s1  }
0x4c: {  	[bflag:$0x3] =	sbarrier.arrive $0xFFFF  }
0x4d: {  	_ =	shalt  }

</sc_bundles>
